<compile_context>
chip_gen: v7x
topology: tpu7x:2x2x1
jax: 0.10.2.dev20260603
libtpu: 0.0.44.dev20260713+nightly
codegen_flags: <defaults>
</compile_context>

<pallas_src>
import functools

import jax
import jax.numpy as jnp
from jax import lax
from jax.experimental import pallas as pl
from jax.experimental.pallas import tpu as pltpu
from jax.experimental.pallas import tpu_sc as plsc

NC = 2
NS = 16
NW = NC * NS
L = 16



CAP = 88


def _make_degree_kernel(n_nodes, n_blocks):
    mesh = plsc.VectorSubcoreMesh(core_axis_name="c", subcore_axis_name="s")

    @functools.partial(
        pl.kernel, mesh=mesh,
        compiler_params=pltpu.CompilerParams(needs_layout_passes=False),
        out_type=jax.ShapeDtypeStruct((2 * NW, 1, n_nodes), jnp.int32),
        scratch_types=[
            pltpu.VMEM((1, n_nodes), jnp.int32),
            pltpu.VMEM((1, n_nodes), jnp.int32),
            pltpu.VMEM((2, CAP * 128), jnp.int32),
        ],
    )
    def deg_kernel(ei_hbm, zero_hbm, out_hbm, cnt_s, cnt_d, sdbuf):
        wid = lax.axis_index("s") * NC + lax.axis_index("c")
        lo = wid * n_blocks // NW
        hi = (wid + 1) * n_blocks // NW
        sblk0 = jnp.minimum(lo, n_blocks - CAP)
        pltpu.sync_copy(ei_hbm.at[:, pl.ds(sblk0 * 128, CAP * 128)], sdbuf)
        pltpu.sync_copy(zero_hbm, cnt_s)
        pltpu.sync_copy(zero_hbm, cnt_d)
        ones = jnp.ones((L,), jnp.int32)
        zidx = jnp.zeros((L,), jnp.int32)
        base = (lo - sblk0) * 128

        def body(i, carry):
            off = base + i * 4 * L
            for u in range(4):
                o = off + u * L
                plsc.addupdate_scatter(cnt_s, [zidx, sdbuf[0, pl.ds(o, L)]],
                                       ones)
                plsc.addupdate_scatter(cnt_d, [zidx, sdbuf[1, pl.ds(o, L)]],
                                       ones)
            return carry

        lax.fori_loop(0, (hi - lo) * (128 // (4 * L)), body, 0)
        pltpu.sync_copy(cnt_s, out_hbm.at[wid])
        pltpu.sync_copy(cnt_d, out_hbm.at[NW + wid])

    return deg_kernel



def _make_scatter_kernel(n_nodes, n_blocks):
    rpt = (n_nodes // NS + 7) // 8 * 8
    rlast = n_nodes - (NS - 1) * rpt
    mesh = plsc.VectorSubcoreMesh(core_axis_name="c", subcore_axis_name="s")

    @functools.partial(
        pl.kernel, mesh=mesh,
        compiler_params=pltpu.CompilerParams(needs_layout_passes=False),
        out_type=jax.ShapeDtypeStruct((2 * n_nodes, 128), jnp.float32),
        scratch_types=[
            pltpu.VMEM((4, 2, 128), jnp.int32),
            pltpu.VMEM((3, 128, 128), jnp.float32),
            pltpu.VMEM_SHARED((n_nodes, 128), jnp.float32),
            pltpu.SemaphoreType.DMA((4,)),
            pltpu.SemaphoreType.DMA((3,)),
        ],
    )
    def msg_kernel(feat_hbm, ei_hbm, zrows_hbm, out_hbm,
                   sdidx, rows, agg_sh, isem, gsem):
        cid = lax.axis_index("c")
        sid = lax.axis_index("s")
        wid = sid * NC + cid
        lo = wid * n_blocks // NW
        hi = (wid + 1) * n_blocks // NW
        nloc = hi - lo

        def icopy(j):
            m = lax.rem(j, 4)
            return pltpu.make_async_copy(
                ei_hbm.at[:, pl.ds((lo + j) * 128, 128)], sdidx.at[m],
                isem.at[m])

        def gath(j):
            k = lax.rem(j, 3)
            return pltpu.make_async_copy(
                feat_hbm.at[sdidx.at[lax.rem(j, 4), 0]], rows.at[k],
                gsem.at[k])

        row0 = sid * rpt

        @pl.when(sid < NS - 1)
        def _():
            pltpu.sync_copy(zrows_hbm, agg_sh.at[pl.ds(row0, rpt)])

        @pl.when(sid == NS - 1)
        def _():
            pltpu.sync_copy(zrows_hbm.at[pl.ds(0, rlast)],
                            agg_sh.at[pl.ds(row0, rlast)])

        plsc.subcore_barrier()

        icopy(0).start()
        icopy(1).start()
        icopy(2).start()
        icopy(0).wait()
        gath(0).start()
        icopy(1).wait()
        gath(1).start()

        def body(j, carry):
            @pl.when(j + 3 < nloc)
            def _():
                icopy(j + 3).start()

            @pl.when(j + 2 < nloc)
            def _():
                icopy(j + 2).wait()
                gath(j + 2).start()

            gath(j).wait()
            pltpu.sync_copy(rows.at[lax.rem(j, 3)],
                            agg_sh.at[sdidx.at[lax.rem(j, 4), 1]], add=True)
            return carry

        lax.fori_loop(0, nloc, body, 0)
        plsc.subcore_barrier()

        @pl.when(sid < NS - 1)
        def _():
            pltpu.sync_copy(agg_sh.at[pl.ds(row0, rpt)],
                            out_hbm.at[pl.ds(cid * n_nodes + row0, rpt)])

        @pl.when(sid == NS - 1)
        def _():
            pltpu.sync_copy(agg_sh.at[pl.ds(row0, rlast)],
                            out_hbm.at[pl.ds(cid * n_nodes + row0, rlast)])

    return msg_kernel



def _feat_body(cnt_ref, h_ref, feat_ref, s_in_ref):
    out_deg = jnp.sum(cnt_ref[:NW, 0, :], axis=0)
    s = lax.rsqrt(jnp.maximum(out_deg, 1).astype(jnp.float32))
    feat_ref[...] = h_ref[...] * s[:, None]
    in_deg = jnp.sum(cnt_ref[NW:, 0, :], axis=0)
    s_in_ref[...] = lax.rsqrt(
        jnp.maximum(in_deg, 1).astype(jnp.float32))[None, :]


def _scale_feat(cnt3, h):
    n, d = h.shape
    return pl.pallas_call(
        _feat_body,
        out_shape=(jax.ShapeDtypeStruct((n, d), jnp.float32),
                   jax.ShapeDtypeStruct((1, n), jnp.float32)),
    )(cnt3, h)



def _dense_body(n_pad, aggp_ref, s_in_ref, h_ref, w_gcn_ref, b_gcn_ref,
                w_ih_ref, w_hh_ref, b_ih_ref, b_hh_ref, out_ref):
    n, d = h_ref.shape
    s_in = s_in_ref[0, :]
    agg = (aggp_ref[pl.ds(0, n), :]
           + aggp_ref[pl.ds(n_pad, n), :]) * s_in[:, None]
    x = jnp.dot(agg, w_gcn_ref[...],
                preferred_element_type=jnp.float32) + b_gcn_ref[...]
    h = h_ref[...]
    dn = (((1,), (1,)), ((), ()))
    gi = lax.dot_general(x, w_ih_ref[...], dn,
                         preferred_element_type=jnp.float32) + b_ih_ref[...]
    gh = lax.dot_general(h, w_hh_ref[...], dn,
                         preferred_element_type=jnp.float32) + b_hh_ref[...]
    r = jax.nn.sigmoid(gi[:, :d] + gh[:, :d])
    z = jax.nn.sigmoid(gi[:, d:2 * d] + gh[:, d:2 * d])
    n = jnp.tanh(gi[:, 2 * d:] + r * gh[:, 2 * d:])
    h_new = (1.0 - z) * n + z * h
    out_ref[...] = jnp.where(h_new > 0, h_new, jnp.exp(h_new) - 1.0)


def _dense_gru(n_pad, aggp, s_in, h, w_gcn, b_gcn, w_ih, w_hh, b_ih, b_hh):
    n, d = h.shape
    return pl.pallas_call(
        functools.partial(_dense_body, n_pad),
        out_shape=jax.ShapeDtypeStruct((n, d), jnp.float32),
    )(aggp, s_in, h, w_gcn, b_gcn, w_ih, w_hh, b_ih, b_hh)



def kernel(h, edge_index, W_gcn, b_gcn, w_ih, w_hh, b_ih, b_hh):
    n, d = h.shape
    e = edge_index.shape[1]
    n_blocks = e // 128
    ei32 = edge_index.astype(jnp.int32)

    zcnt = jnp.zeros((1, n), jnp.int32)
    cnt3 = _make_degree_kernel(n, n_blocks)(ei32, zcnt)

    feat, s_in = _scale_feat(cnt3, h)

    rpt = (n // NS + 7) // 8 * 8
    zrows = jnp.zeros((rpt, d), jnp.float32)
    aggp = _make_scatter_kernel(n, n_blocks)(feat, ei32, zrows)

    return _dense_gru(n, aggp, s_in, h, W_gcn, b_gcn.reshape(1, d),
                      w_ih, w_hh, b_ih.reshape(1, 3 * d),
                      b_hh.reshape(1, 3 * d))

# --- scband reference (transcript-rebuilt; emitter-appended) ---
"""Pipeline reference for scband-rec-gcnblock-37838661877767 (READ-ONLY COPY).

The authoritative reference and input builder live on the scoring server;
editing this copy changes nothing except your own understanding.
"""

import jax, jax.numpy as jnp
import numpy as np

N_NODES = 10000
N_EDGES = 320000
D = 128

def setup_inputs(seed: int = 0) -> dict:
    key = jax.random.key(seed)
    ks = jax.random.split(key, 8)
    h = jax.random.normal(ks[0], (N_NODES, D), dtype=jnp.float32)
    edge_index = jax.random.randint(ks[1], (2, N_EDGES), 0, N_NODES, dtype=jnp.int64)
    # GraphConv params (DGL default: weight + bias, norm='both')
    W_gcn = jax.random.normal(ks[2], (D, D), dtype=jnp.float32) * (1.0 / np.sqrt(D))
    b_gcn = jnp.zeros((D,), dtype=jnp.float32)
    # GRUCell params (torch layout: weight_ih [3H, H], weight_hh [3H, H])
    s = 1.0 / np.sqrt(D)
    w_ih = jax.random.uniform(ks[3], (3 * D, D), dtype=jnp.float32, minval=-s, maxval=s)
    w_hh = jax.random.uniform(ks[4], (3 * D, D), dtype=jnp.float32, minval=-s, maxval=s)
    b_ih = jax.random.uniform(ks[5], (3 * D,), dtype=jnp.float32, minval=-s, maxval=s)
    b_hh = jax.random.uniform(ks[6], (3 * D,), dtype=jnp.float32, minval=-s, maxval=s)
    return {"h": h, "edge_index": edge_index, "W_gcn": W_gcn, "b_gcn": b_gcn,
            "w_ih": w_ih, "w_hh": w_hh, "b_ih": b_ih, "b_hh": b_hh}

def reference(h, edge_index, W_gcn, b_gcn, w_ih, w_hh, b_ih, b_hh):
    N = h.shape[0]
    src = edge_index[0]
    dst = edge_index[1]
    # DGL GraphConv, norm='both': D_dst^{-1/2} A D_src^{-1/2} X W + b
    out_deg = jnp.clip(jnp.bincount(src, length=N), 1, None).astype(h.dtype)
    in_deg = jnp.clip(jnp.bincount(dst, length=N), 1, None).astype(h.dtype)
    feat = h * (out_deg ** -0.5)[:, None]
    msg = jnp.take(feat, src, axis=0)
    agg = jnp.zeros((N, h.shape[1]), dtype=h.dtype).at[dst].add(msg)
    agg = agg * (in_deg ** -0.5)[:, None]
    x = agg @ W_gcn + b_gcn
    # torch GRUCell(x, h)
    gi = x @ w_ih.T + b_ih
    gh = h @ w_hh.T + b_hh
    i_r, i_z, i_n = jnp.split(gi, 3, axis=1)
    h_r, h_z, h_n = jnp.split(gh, 3, axis=1)
    r = jax.nn.sigmoid(i_r + h_r)
    z = jax.nn.sigmoid(i_z + h_z)
    n = jnp.tanh(i_n + r * h_n)
    h_new = (1.0 - z) * n + z * h
    return jax.nn.elu(h_new)

if __name__ == "__main__":
    import jax
    _d = setup_inputs()
    print(jax.jit(kernel)(*tuple(_d.values())))

</pallas_src>

<mosaic_0001>
#map = affine_map<(d0, d1) -> (0, 0)>
module attributes {stable_mosaic.version = 14 : i64} {
  func.func @msg_kernel(%arg0: i32, %arg1: i32, %arg2: memref<10000x128xf32, #tpu.memory_space<hbm>>, %arg3: memref<2x320000xi32, #tpu.memory_space<hbm>>, %arg4: memref<632x128xf32, #tpu.memory_space<hbm>>, %arg5: memref<20000x128xf32, #tpu.memory_space<hbm>>, %arg6: memref<4x2x128xi32, #tpu.memory_space<vmem>>, %arg7: memref<3x128x128xf32, #tpu.memory_space<vmem>>, %arg8: memref<10000x128xf32, #tpu.memory_space<vmem_shared>>, %arg9: memref<4x!tpu.dma_semaphore, #tpu.memory_space<semaphore_mem>>, %arg10: memref<3x!tpu.dma_semaphore, #tpu.memory_space<semaphore_mem>>) attributes {dimension_semantics = [#tpu.dimension_semantics<core_parallel>, #tpu.dimension_semantics<subcore_parallel>], iteration_bounds = array<i64: 2, 16>, scalar_prefetch = 0 : i64, scratch_operands = 5 : i64, tpu.core_type = #tpu.core_type<sc_vector_subcore>, window_params = [{transform_indices = #map}, {transform_indices = #map}, {transform_indices = #map}, {transform_indices = #map}]} {
    %mul3A = arith.constant 2 : i32
    %mul3A_0 = arith.muli %arg1, %mul3A : i32
    %add3A = arith.addi %mul3A_0, %arg0 : i32
    %mul3A_1 = arith.constant 2500 : i32
    %mul3A_2 = arith.muli %add3A, %mul3A_1 : i32
    %jit3A = arith.constant 32 : i32
    %div3A = arith.divsi %mul3A_2, %jit3A : i32
    %sign3A = arith.constant 0 : i32
    %sign3A_3 = arith.cmpi sgt, %mul3A_2, %sign3A : i32
    %sign3A_4 = arith.extui %sign3A_3 : i1 to i32
    %sign3A_5 = arith.constant 0 : i32
    %sign3A_6 = arith.cmpi slt, %mul3A_2, %sign3A_5 : i32
    %sign3A_7 = arith.extui %sign3A_6 : i1 to i32
    %sign3A_8 = arith.subi %sign3A_4, %sign3A_7 : i32
    %sign3A_9 = arith.constant 0 : i32
    %sign3A_10 = arith.cmpi sgt, %jit3A, %sign3A_9 : i32
    %sign3A_11 = arith.extui %sign3A_10 : i1 to i32
    %sign3A_12 = arith.constant 0 : i32
    %sign3A_13 = arith.cmpi slt, %jit3A, %sign3A_12 : i32
    %sign3A_14 = arith.extui %sign3A_13 : i1 to i32
    %sign3A_15 = arith.subi %sign3A_11, %sign3A_14 : i32
    %ne3A = arith.cmpi ne, %sign3A_8, %sign3A_15 : i32
    %rem3A = arith.remsi %mul3A_2, %jit3A : i32
    %ne3A_16 = arith.constant 0 : i32
    %ne3A_17 = arith.cmpi ne, %rem3A, %ne3A_16 : i32
    %and3A = arith.andi %ne3A, %ne3A_17 : i1
    %sub3A = arith.constant 1 : i32
    %sub3A_18 = arith.subi %div3A, %sub3A : i32
    %select_n3A = arith.select %and3A, %sub3A_18, %div3A : i32
    %add3A_19 = arith.constant 1 : i32
    %add3A_20 = arith.addi %add3A, %add3A_19 : i32
    %mul3A_21 = arith.constant 2500 : i32
    %mul3A_22 = arith.muli %add3A_20, %mul3A_21 : i32
    %jit3A_23 = arith.constant 32 : i32
    %div3A_24 = arith.divsi %mul3A_22, %jit3A_23 : i32
    %sign3A_25 = arith.constant 0 : i32
    %sign3A_26 = arith.cmpi sgt, %mul3A_22, %sign3A_25 : i32
    %sign3A_27 = arith.extui %sign3A_26 : i1 to i32
    %sign3A_28 = arith.constant 0 : i32
    %sign3A_29 = arith.cmpi slt, %mul3A_22, %sign3A_28 : i32
    %sign3A_30 = arith.extui %sign3A_29 : i1 to i32
    %sign3A_31 = arith.subi %sign3A_27, %sign3A_30 : i32
    %sign3A_32 = arith.constant 0 : i32
    %sign3A_33 = arith.cmpi sgt, %jit3A_23, %sign3A_32 : i32
    %sign3A_34 = arith.extui %sign3A_33 : i1 to i32
    %sign3A_35 = arith.constant 0 : i32
    %sign3A_36 = arith.cmpi slt, %jit3A_23, %sign3A_35 : i32
    %sign3A_37 = arith.extui %sign3A_36 : i1 to i32
    %sign3A_38 = arith.subi %sign3A_34, %sign3A_37 : i32
    %ne3A_39 = arith.cmpi ne, %sign3A_31, %sign3A_38 : i32
    %rem3A_40 = arith.remsi %mul3A_22, %jit3A_23 : i32
    %ne3A_41 = arith.constant 0 : i32
    %ne3A_42 = arith.cmpi ne, %rem3A_40, %ne3A_41 : i32
    %and3A_43 = arith.andi %ne3A_39, %ne3A_42 : i1
    %sub3A_44 = arith.constant 1 : i32
    %sub3A_45 = arith.subi %div3A_24, %sub3A_44 : i32
    %select_n3A_46 = arith.select %and3A_43, %sub3A_45, %div3A_24 : i32
    %sub3A_47 = arith.subi %select_n3A_46, %select_n3A : i32
    %mul3A_48 = arith.constant 632 : i32
    %mul3A_49 = arith.muli %arg1, %mul3A_48 : i32
    %lt3A = arith.constant 15 : i32
    %lt3A_50 = arith.cmpi slt, %arg1, %lt3A : i32
    %convert_element_type3A = arith.extui %lt3A_50 : i1 to i32
    %cond3A = arith.constant 0 : i32
    %cond3A_51 = arith.cmpi ne, %convert_element_type3A, %cond3A : i32
    scf.if %cond3A_51 {
      "tpu.region"() ({
        %run_scoped3A = tpu.sem_alloc : memref<!tpu.dma_semaphore, #tpu.memory_space<semaphore_mem>>
        %dma_start3A_217 = arith.constant 0 : i32
        %dma_start3A_218 = tpu.memref_slice %arg8[%mul3A_49, %dma_start3A_217] : memref<10000x128xf32, #tpu.memory_space<vmem_shared>> -> memref<632x128xf32, #tpu.memory_space<vmem_shared>>
        tpu.enqueue_dma source(%arg4 : memref<632x128xf32, #tpu.memory_space<hbm>>) target(%dma_start3A_218 : memref<632x128xf32, #tpu.memory_space<vmem_shared>>) target_semaphore(%run_scoped3A : memref<!tpu.dma_semaphore, #tpu.memory_space<semaphore_mem>>)
        %dma_wait3A_219 = arith.constant 0 : i32
        %dma_wait3A_220 = tpu.memref_slice %arg8[%mul3A_49, %dma_wait3A_219] : memref<10000x128xf32, #tpu.memory_space<vmem_shared>> -> memref<632x128xf32, #tpu.memory_space<vmem_shared>>
        tpu.wait_dma2 semaphore(%run_scoped3A : memref<!tpu.dma_semaphore, #tpu.memory_space<semaphore_mem>>) src(%arg4 : memref<632x128xf32, #tpu.memory_space<hbm>>) dst(%dma_wait3A_220 : memref<632x128xf32, #tpu.memory_space<vmem_shared>>)
        tpu.yield
      }) : () -> ()
    } else {
    }
    %eq3A = arith.constant 15 : i32
    %eq3A_52 = arith.cmpi eq, %arg1, %eq3A : i32
    %convert_element_type3A_53 = arith.extui %eq3A_52 : i1 to i32
    %cond3A_54 = arith.constant 0 : i32
    %cond3A_55 = arith.cmpi ne, %convert_element_type3A_53, %cond3A_54 : i32
    scf.if %cond3A_55 {
      "tpu.region"() ({
        %run_scoped3A = tpu.sem_alloc : memref<!tpu.dma_semaphore, #tpu.memory_space<semaphore_mem>>
        %dma_start3A_217 = arith.constant 0 : i32
        %dma_start3A_218 = tpu.memref_slice %arg8[%mul3A_49, %dma_start3A_217] : memref<10000x128xf32, #tpu.memory_space<vmem_shared>> -> memref<520x128xf32, #tpu.memory_space<vmem_shared>>
        %dma_start3A_219 = arith.constant 0 : i32
        %dma_start3A_220 = arith.constant 0 : i32
        %dma_start3A_221 = tpu.memref_slice %arg4[%dma_start3A_219, %dma_start3A_220] : memref<632x128xf32, #tpu.memory_space<hbm>> -> memref<520x128xf32, #tpu.memory_space<hbm>>
        tpu.enqueue_dma source(%dma_start3A_221 : memref<520x128xf32, #tpu.memory_space<hbm>>) target(%dma_start3A_218 : memref<520x128xf32, #tpu.memory_space<vmem_shared>>) target_semaphore(%run_scoped3A : memref<!tpu.dma_semaphore, #tpu.memory_space<semaphore_mem>>)
        %dma_wait3A_222 = arith.constant 0 : i32
        %dma_wait3A_223 = tpu.memref_slice %arg8[%mul3A_49, %dma_wait3A_222] : memref<10000x128xf32, #tpu.memory_space<vmem_shared>> -> memref<520x128xf32, #tpu.memory_space<vmem_shared>>
        %dma_wait3A_224 = arith.constant 0 : i32
        %dma_wait3A_225 = arith.constant 0 : i32
        %dma_wait3A_226 = tpu.memref_slice %arg4[%dma_wait3A_224, %dma_wait3A_225] : memref<632x128xf32, #tpu.memory_space<hbm>> -> memref<520x128xf32, #tpu.memory_space<hbm>>
        tpu.wait_dma2 semaphore(%run_scoped3A : memref<!tpu.dma_semaphore, #tpu.memory_space<semaphore_mem>>) src(%dma_wait3A_226 : memref<520x128xf32, #tpu.memory_space<hbm>>) dst(%dma_wait3A_223 : memref<520x128xf32, #tpu.memory_space<vmem_shared>>)
        tpu.yield
      }) : () -> ()
    } else {
    }
    %barrier3A = arith.constant 0 : index
    tpu.barrier barrier_id(%barrier3A)
    %rem3A_56 = arith.constant 0 : i32
    %rem3A_57 = arith.constant 4 : i32
    %rem3A_58 = arith.remsi %rem3A_56, %rem3A_57 : i32
    %add3A_59 = arith.constant 0 : i32
    %add3A_60 = arith.addi %select_n3A, %add3A_59 : i32
    %mul3A_61 = arith.constant 128 : i32
    %mul3A_62 = arith.muli %add3A_60, %mul3A_61 : i32
    %dma_start3A = arith.constant 0 : i32
    %dma_start3A_63 = arith.constant 0 : i32
    %dma_start3A_64 = tpu.memref_slice %arg6[%rem3A_58, %dma_start3A, %dma_start3A_63] : memref<4x2x128xi32, #tpu.memory_space<vmem>> -> memref<1x2x128xi32, #tpu.memory_space<vmem>>
    %dma_start3A_65 = tpu.memref_squeeze %dma_start3A_64 : memref<1x2x128xi32, #tpu.memory_space<vmem>> -> memref<2x128xi32, #tpu.memory_space<vmem>>
    %dma_start3A_66 = arith.constant 0 : i32
    %dma_start3A_67 = tpu.memref_slice %arg3[%dma_start3A_66, %mul3A_62] : memref<2x320000xi32, #tpu.memory_space<hbm>> -> memref<2x128xi32, #tpu.memory_space<hbm>>
    %dma_start3A_68 = tpu.memref_slice %arg9[%rem3A_58] : memref<4x!tpu.dma_semaphore, #tpu.memory_space<semaphore_mem>> -> memref<1x!tpu.dma_semaphore, #tpu.memory_space<semaphore_mem>>
    %dma_start3A_69 = tpu.memref_squeeze %dma_start3A_68 : memref<1x!tpu.dma_semaphore, #tpu.memory_space<semaphore_mem>> -> memref<!tpu.dma_semaphore, #tpu.memory_space<semaphore_mem>>
    %dma_start3A_70 = arith.constant 0 : i32
    %dma_start3A_71 = arith.constant 0 : i32
    %dma_start3A_72 = tpu.memref_slice %arg6[%rem3A_58, %dma_start3A_70, %dma_start3A_71] : memref<4x2x128xi32, #tpu.memory_space<vmem>> -> memref<1x2x128xi32, #tpu.memory_space<vmem>>
    %dma_start3A_73 = tpu.memref_squeeze %dma_start3A_72 : memref<1x2x128xi32, #tpu.memory_space<vmem>> -> memref<2x128xi32, #tpu.memory_space<vmem>>
    %dma_start3A_74 = arith.constant 0 : i32
    %dma_start3A_75 = tpu.memref_slice %arg3[%dma_start3A_74, %mul3A_62] : memref<2x320000xi32, #tpu.memory_space<hbm>> -> memref<2x128xi32, #tpu.memory_space<hbm>>
    tpu.enqueue_dma source(%dma_start3A_75 : memref<2x128xi32, #tpu.memory_space<hbm>>) target(%dma_start3A_73 : memref<2x128xi32, #tpu.memory_space<vmem>>) target_semaphore(%dma_start3A_69 : memref<!tpu.dma_semaphore, #tpu.memory_space<semaphore_mem>>)
    %rem3A_76 = arith.constant 1 : i32
    %rem3A_77 = arith.constant 4 : i32
    %rem3A_78 = arith.remsi %rem3A_76, %rem3A_77 : i32
    %add3A_79 = arith.constant 1 : i32
    %add3A_80 = arith.addi %select_n3A, %add3A_79 : i32
    %mul3A_81 = arith.constant 128 : i32
    %mul3A_82 = arith.muli %add3A_80, %mul3A_81 : i32
    %dma_start3A_83 = arith.constant 0 : i32
    %dma_start3A_84 = arith.constant 0 : i32
    %dma_start3A_85 = tpu.memref_slice %arg6[%rem3A_78, %dma_start3A_83, %dma_start3A_84] : memref<4x2x128xi32, #tpu.memory_space<vmem>> -> memref<1x2x128xi32, #tpu.memory_space<vmem>>
    %dma_start3A_86 = tpu.memref_squeeze %dma_start3A_85 : memref<1x2x128xi32, #tpu.memory_space<vmem>> -> memref<2x128xi32, #tpu.memory_space<vmem>>
    %dma_start3A_87 = arith.constant 0 : i32
    %dma_start3A_88 = tpu.memref_slice %arg3[%dma_start3A_87, %mul3A_82] : memref<2x320000xi32, #tpu.memory_space<hbm>> -> memref<2x128xi32, #tpu.memory_space<hbm>>
    %dma_start3A_89 = tpu.memref_slice %arg9[%rem3A_78] : memref<4x!tpu.dma_semaphore, #tpu.memory_space<semaphore_mem>> -> memref<1x!tpu.dma_semaphore, #tpu.memory_space<semaphore_mem>>
    %dma_start3A_90 = tpu.memref_squeeze %dma_start3A_89 : memref<1x!tpu.dma_semaphore, #tpu.memory_space<semaphore_mem>> -> memref<!tpu.dma_semaphore, #tpu.memory_space<semaphore_mem>>
    %dma_start3A_91 = arith.constant 0 : i32
    %dma_start3A_92 = arith.constant 0 : i32
    %dma_start3A_93 = tpu.memref_slice %arg6[%rem3A_78, %dma_start3A_91, %dma_start3A_92] : memref<4x2x128xi32, #tpu.memory_space<vmem>> -> memref<1x2x128xi32, #tpu.memory_space<vmem>>
    %dma_start3A_94 = tpu.memref_squeeze %dma_start3A_93 : memref<1x2x128xi32, #tpu.memory_space<vmem>> -> memref<2x128xi32, #tpu.memory_space<vmem>>
    %dma_start3A_95 = arith.constant 0 : i32
    %dma_start3A_96 = tpu.memref_slice %arg3[%dma_start3A_95, %mul3A_82] : memref<2x320000xi32, #tpu.memory_space<hbm>> -> memref<2x128xi32, #tpu.memory_space<hbm>>
    tpu.enqueue_dma source(%dma_start3A_96 : memref<2x128xi32, #tpu.memory_space<hbm>>) target(%dma_start3A_94 : memref<2x128xi32, #tpu.memory_space<vmem>>) target_semaphore(%dma_start3A_90 : memref<!tpu.dma_semaphore, #tpu.memory_space<semaphore_mem>>)
    %rem3A_97 = arith.constant 2 : i32
    %rem3A_98 = arith.constant 4 : i32
    %rem3A_99 = arith.remsi %rem3A_97, %rem3A_98 : i32
    %add3A_100 = arith.constant 2 : i32
    %add3A_101 = arith.addi %select_n3A, %add3A_100 : i32
    %mul3A_102 = arith.constant 128 : i32
    %mul3A_103 = arith.muli %add3A_101, %mul3A_102 : i32
    %dma_start3A_104 = arith.constant 0 : i32
    %dma_start3A_105 = arith.constant 0 : i32
    %dma_start3A_106 = tpu.memref_slice %arg6[%rem3A_99, %dma_start3A_104, %dma_start3A_105] : memref<4x2x128xi32, #tpu.memory_space<vmem>> -> memref<1x2x128xi32, #tpu.memory_space<vmem>>
    %dma_start3A_107 = tpu.memref_squeeze %dma_start3A_106 : memref<1x2x128xi32, #tpu.memory_space<vmem>> -> memref<2x128xi32, #tpu.memory_space<vmem>>
    %dma_start3A_108 = arith.constant 0 : i32
    %dma_start3A_109 = tpu.memref_slice %arg3[%dma_start3A_108, %mul3A_103] : memref<2x320000xi32, #tpu.memory_space<hbm>> -> memref<2x128xi32, #tpu.memory_space<hbm>>
    %dma_start3A_110 = tpu.memref_slice %arg9[%rem3A_99] : memref<4x!tpu.dma_semaphore, #tpu.memory_space<semaphore_mem>> -> memref<1x!tpu.dma_semaphore, #tpu.memory_space<semaphore_mem>>
    %dma_start3A_111 = tpu.memref_squeeze %dma_start3A_110 : memref<1x!tpu.dma_semaphore, #tpu.memory_space<semaphore_mem>> -> memref<!tpu.dma_semaphore, #tpu.memory_space<semaphore_mem>>
    %dma_start3A_112 = arith.constant 0 : i32
    %dma_start3A_113 = arith.constant 0 : i32
    %dma_start3A_114 = tpu.memref_slice %arg6[%rem3A_99, %dma_start3A_112, %dma_start3A_113] : memref<4x2x128xi32, #tpu.memory_space<vmem>> -> memref<1x2x128xi32, #tpu.memory_space<vmem>>
    %dma_start3A_115 = tpu.memref_squeeze %dma_start3A_114 : memref<1x2x128xi32, #tpu.memory_space<vmem>> -> memref<2x128xi32, #tpu.memory_space<vmem>>
    %dma_start3A_116 = arith.constant 0 : i32
    %dma_start3A_117 = tpu.memref_slice %arg3[%dma_start3A_116, %mul3A_103] : memref<2x320000xi32, #tpu.memory_space<hbm>> -> memref<2x128xi32, #tpu.memory_space<hbm>>
    tpu.enqueue_dma source(%dma_start3A_117 : memref<2x128xi32, #tpu.memory_space<hbm>>) target(%dma_start3A_115 : memref<2x128xi32, #tpu.memory_space<vmem>>) target_semaphore(%dma_start3A_111 : memref<!tpu.dma_semaphore, #tpu.memory_space<semaphore_mem>>)
    %rem3A_118 = arith.constant 0 : i32
    %rem3A_119 = arith.constant 4 : i32
    %rem3A_120 = arith.remsi %rem3A_118, %rem3A_119 : i32
    %add3A_121 = arith.constant 0 : i32
    %add3A_122 = arith.addi %select_n3A, %add3A_121 : i32
    %mul3A_123 = arith.constant 128 : i32
    %mul3A_124 = arith.muli %add3A_122, %mul3A_123 : i32
    %dma_wait3A = arith.constant 0 : i32
    %dma_wait3A_125 = arith.constant 0 : i32
    %dma_wait3A_126 = tpu.memref_slice %arg6[%rem3A_120, %dma_wait3A, %dma_wait3A_125] : memref<4x2x128xi32, #tpu.memory_space<vmem>> -> memref<1x2x128xi32, #tpu.memory_space<vmem>>
    %dma_wait3A_127 = tpu.memref_squeeze %dma_wait3A_126 : memref<1x2x128xi32, #tpu.memory_space<vmem>> -> memref<2x128xi32, #tpu.memory_space<vmem>>
    %dma_wait3A_128 = arith.constant 0 : i32
    %dma_wait3A_129 = tpu.memref_slice %arg3[%dma_wait3A_128, %mul3A_124] : memref<2x320000xi32, #tpu.memory_space<hbm>> -> memref<2x128xi32, #tpu.memory_space<hbm>>
    %dma_wait3A_130 = tpu.memref_slice %arg9[%rem3A_120] : memref<4x!tpu.dma_semaphore, #tpu.memory_space<semaphore_mem>> -> memref<1x!tpu.dma_semaphore, #tpu.memory_space<semaphore_mem>>
    %dma_wait3A_131 = tpu.memref_squeeze %dma_wait3A_130 : memref<1x!tpu.dma_semaphore, #tpu.memory_space<semaphore_mem>> -> memref<!tpu.dma_semaphore, #tpu.memory_space<semaphore_mem>>
    %dma_wait3A_132 = arith.constant 0 : i32
    %dma_wait3A_133 = arith.constant 0 : i32
    %dma_wait3A_134 = tpu.memref_slice %arg6[%rem3A_120, %dma_wait3A_132, %dma_wait3A_133] : memref<4x2x128xi32, #tpu.memory_space<vmem>> -> memref<1x2x128xi32, #tpu.memory_space<vmem>>
    %dma_wait3A_135 = tpu.memref_squeeze %dma_wait3A_134 : memref<1x2x128xi32, #tpu.memory_space<vmem>> -> memref<2x128xi32, #tpu.memory_space<vmem>>
    %dma_wait3A_136 = arith.constant 0 : i32
    %dma_wait3A_137 = tpu.memref_slice %arg3[%dma_wait3A_136, %mul3A_124] : memref<2x320000xi32, #tpu.memory_space<hbm>> -> memref<2x128xi32, #tpu.memory_space<hbm>>
    tpu.wait_dma2 semaphore(%dma_wait3A_131 : memref<!tpu.dma_semaphore, #tpu.memory_space<semaphore_mem>>) src(%dma_wait3A_137 : memref<2x128xi32, #tpu.memory_space<hbm>>) dst(%dma_wait3A_135 : memref<2x128xi32, #tpu.memory_space<vmem>>)
    %rem3A_138 = arith.constant 0 : i32
    %rem3A_139 = arith.constant 3 : i32
    %rem3A_140 = arith.remsi %rem3A_138, %rem3A_139 : i32
    %rem3A_141 = arith.constant 0 : i32
    %rem3A_142 = arith.constant 4 : i32
    %rem3A_143 = arith.remsi %rem3A_141, %rem3A_142 : i32
    %dma_start3A_144 = arith.constant 0 : i32
    %dma_start3A_145 = arith.constant 0 : i32
    %dma_start3A_146 = arith.constant 0 : i32
    %dma_start3A_147 = tpu.memref_slice %arg7[%rem3A_140, %dma_start3A_145, %dma_start3A_146] : memref<3x128x128xf32, #tpu.memory_space<vmem>> -> memref<1x128x128xf32, #tpu.memory_space<vmem>>
    %dma_start3A_148 = tpu.memref_squeeze %dma_start3A_147 : memref<1x128x128xf32, #tpu.memory_space<vmem>> -> memref<128x128xf32, #tpu.memory_space<vmem>>
    %dma_start3A_149 = arith.constant 0 : i32
    %dma_start3A_150 = tpu.memref_slice %arg6[%rem3A_143, %dma_start3A_144, %dma_start3A_149] : memref<4x2x128xi32, #tpu.memory_space<vmem>> -> memref<1x1x128xi32, #tpu.memory_space<vmem>>
    %dma_start3A_151 = tpu.memref_squeeze %dma_start3A_150 : memref<1x1x128xi32, #tpu.memory_space<vmem>> -> memref<128xi32, #tpu.memory_space<vmem>>
    %dma_start3A_152 = arith.constant 0 : i32
    %dma_start3A_153 = arith.constant 0 : i32
    %dma_start3A_154 = tpu.memref_slice %arg2[%dma_start3A_152, %dma_start3A_153] : memref<10000x128xf32, #tpu.memory_space<hbm>> -> memref<10000x128xf32, #tpu.memory_space<hbm>>
    %dma_start3A_155 = tpu.memref_slice %arg10[%rem3A_140] : memref<3x!tpu.dma_semaphore, #tpu.memory_space<semaphore_mem>> -> memref<1x!tpu.dma_semaphore, #tpu.memory_space<semaphore_mem>>
    %dma_start3A_156 = tpu.memref_squeeze %dma_start3A_155 : memref<1x!tpu.dma_semaphore, #tpu.memory_space<semaphore_mem>> -> memref<!tpu.dma_semaphore, #tpu.memory_space<semaphore_mem>>
    tpu.enqueue_indirect_dma source(%dma_start3A_154 : memref<10000x128xf32, #tpu.memory_space<hbm>>) target(%dma_start3A_148 : memref<128x128xf32, #tpu.memory_space<vmem>>) offsets(%dma_start3A_151 : memref<128xi32, #tpu.memory_space<vmem>>) semaphore(%dma_start3A_156 : memref<!tpu.dma_semaphore, #tpu.memory_space<semaphore_mem>>)
    %rem3A_157 = arith.constant 1 : i32
    %rem3A_158 = arith.constant 4 : i32
    %rem3A_159 = arith.remsi %rem3A_157, %rem3A_158 : i32
    %add3A_160 = arith.constant 1 : i32
    %add3A_161 = arith.addi %select_n3A, %add3A_160 : i32
    %mul3A_162 = arith.constant 128 : i32
    %mul3A_163 = arith.muli %add3A_161, %mul3A_162 : i32
    %dma_wait3A_164 = arith.constant 0 : i32
    %dma_wait3A_165 = arith.constant 0 : i32
    %dma_wait3A_166 = tpu.memref_slice %arg6[%rem3A_159, %dma_wait3A_164, %dma_wait3A_165] : memref<4x2x128xi32, #tpu.memory_space<vmem>> -> memref<1x2x128xi32, #tpu.memory_space<vmem>>
    %dma_wait3A_167 = tpu.memref_squeeze %dma_wait3A_166 : memref<1x2x128xi32, #tpu.memory_space<vmem>> -> memref<2x128xi32, #tpu.memory_space<vmem>>
    %dma_wait3A_168 = arith.constant 0 : i32
    %dma_wait3A_169 = tpu.memref_slice %arg3[%dma_wait3A_168, %mul3A_163] : memref<2x320000xi32, #tpu.memory_space<hbm>> -> memref<2x128xi32, #tpu.memory_space<hbm>>
    %dma_wait3A_170 = tpu.memref_slice %arg9[%rem3A_159] : memref<4x!tpu.dma_semaphore, #tpu.memory_space<semaphore_mem>> -> memref<1x!tpu.dma_semaphore, #tpu.memory_space<semaphore_mem>>
    %dma_wait3A_171 = tpu.memref_squeeze %dma_wait3A_170 : memref<1x!tpu.dma_semaphore, #tpu.memory_space<semaphore_mem>> -> memref<!tpu.dma_semaphore, #tpu.memory_space<semaphore_mem>>
    %dma_wait3A_172 = arith.constant 0 : i32
    %dma_wait3A_173 = arith.constant 0 : i32
    %dma_wait3A_174 = tpu.memref_slice %arg6[%rem3A_159, %dma_wait3A_172, %dma_wait3A_173] : memref<4x2x128xi32, #tpu.memory_space<vmem>> -> memref<1x2x128xi32, #tpu.memory_space<vmem>>
    %dma_wait3A_175 = tpu.memref_squeeze %dma_wait3A_174 : memref<1x2x128xi32, #tpu.memory_space<vmem>> -> memref<2x128xi32, #tpu.memory_space<vmem>>
    %dma_wait3A_176 = arith.constant 0 : i32
    %dma_wait3A_177 = tpu.memref_slice %arg3[%dma_wait3A_176, %mul3A_163] : memref<2x320000xi32, #tpu.memory_space<hbm>> -> memref<2x128xi32, #tpu.memory_space<hbm>>
    tpu.wait_dma2 semaphore(%dma_wait3A_171 : memref<!tpu.dma_semaphore, #tpu.memory_space<semaphore_mem>>) src(%dma_wait3A_177 : memref<2x128xi32, #tpu.memory_space<hbm>>) dst(%dma_wait3A_175 : memref<2x128xi32, #tpu.memory_space<vmem>>)
    %rem3A_178 = arith.constant 1 : i32
    %rem3A_179 = arith.constant 3 : i32
    %rem3A_180 = arith.remsi %rem3A_178, %rem3A_179 : i32
    %rem3A_181 = arith.constant 1 : i32
    %rem3A_182 = arith.constant 4 : i32
    %rem3A_183 = arith.remsi %rem3A_181, %rem3A_182 : i32
    %dma_start3A_184 = arith.constant 0 : i32
    %dma_start3A_185 = arith.constant 0 : i32
    %dma_start3A_186 = arith.constant 0 : i32
    %dma_start3A_187 = tpu.memref_slice %arg7[%rem3A_180, %dma_start3A_185, %dma_start3A_186] : memref<3x128x128xf32, #tpu.memory_space<vmem>> -> memref<1x128x128xf32, #tpu.memory_space<vmem>>
    %dma_start3A_188 = tpu.memref_squeeze %dma_start3A_187 : memref<1x128x128xf32, #tpu.memory_space<vmem>> -> memref<128x128xf32, #tpu.memory_space<vmem>>
    %dma_start3A_189 = arith.constant 0 : i32
    %dma_start3A_190 = tpu.memref_slice %arg6[%rem3A_183, %dma_start3A_184, %dma_start3A_189] : memref<4x2x128xi32, #tpu.memory_space<vmem>> -> memref<1x1x128xi32, #tpu.memory_space<vmem>>
    %dma_start3A_191 = tpu.memref_squeeze %dma_start3A_190 : memref<1x1x128xi32, #tpu.memory_space<vmem>> -> memref<128xi32, #tpu.memory_space<vmem>>
    %dma_start3A_192 = arith.constant 0 : i32
    %dma_start3A_193 = arith.constant 0 : i32
    %dma_start3A_194 = tpu.memref_slice %arg2[%dma_start3A_192, %dma_start3A_193] : memref<10000x128xf32, #tpu.memory_space<hbm>> -> memref<10000x128xf32, #tpu.memory_space<hbm>>
    %dma_start3A_195 = tpu.memref_slice %arg10[%rem3A_180] : memref<3x!tpu.dma_semaphore, #tpu.memory_space<semaphore_mem>> -> memref<1x!tpu.dma_semaphore, #tpu.memory_space<semaphore_mem>>
    %dma_start3A_196 = tpu.memref_squeeze %dma_start3A_195 : memref<1x!tpu.dma_semaphore, #tpu.memory_space<semaphore_mem>> -> memref<!tpu.dma_semaphore, #tpu.memory_space<semaphore_mem>>
    tpu.enqueue_indirect_dma source(%dma_start3A_194 : memref<10000x128xf32, #tpu.memory_space<hbm>>) target(%dma_start3A_188 : memref<128x128xf32, #tpu.memory_space<vmem>>) offsets(%dma_start3A_191 : memref<128xi32, #tpu.memory_space<vmem>>) semaphore(%dma_start3A_196 : memref<!tpu.dma_semaphore, #tpu.memory_space<semaphore_mem>>)
    %while3A = arith.constant 0 : i32
    %while3A_197 = arith.constant 0 : i32
    %while3A_198 = arith.subi %sub3A_47, %while3A_197 : i32
    %while3A_199 = arith.addi %while3A_197, %while3A_198 : i32
    %while3A_200 = arith.constant 1 : i32
    %while3A_201 = arith.divsi %while3A_198, %while3A_200 : i32
    %while3A_202 = arith.muli %while3A_201, %while3A_200 : i32
    %while3A_203 = arith.addi %while3A_197, %while3A_202 : i32
    %while3A_204 = arith.constant 1 : i32
    scf.for %while3A_217 = %while3A_197 to %while3A_203 step %while3A_204  : i32 {
      %add3A_218 = arith.constant 3 : i32
      %add3A_219 = arith.addi %while3A_217, %add3A_218 : i32
      %lt3A_220 = arith.cmpi slt, %add3A_219, %sub3A_47 : i32
      %convert_element_type3A_221 = arith.extui %lt3A_220 : i1 to i32
      %cond3A_222 = arith.constant 0 : i32
      %cond3A_223 = arith.cmpi ne, %convert_element_type3A_221, %cond3A_222 : i32
      scf.if %cond3A_223 {
        %add3A_251 = arith.constant 3 : i32
        %add3A_252 = arith.addi %while3A_217, %add3A_251 : i32
        %rem3A_253 = arith.constant 4 : i32
        %rem3A_254 = arith.remsi %add3A_252, %rem3A_253 : i32
        %add3A_255 = arith.addi %select_n3A, %add3A_252 : i32
        %mul3A_256 = arith.constant 128 : i32
        %mul3A_257 = arith.muli %add3A_255, %mul3A_256 : i32
        %dma_start3A_258 = arith.constant 0 : i32
        %dma_start3A_259 = arith.constant 0 : i32
        %dma_start3A_260 = tpu.memref_slice %arg6[%rem3A_254, %dma_start3A_258, %dma_start3A_259] : memref<4x2x128xi32, #tpu.memory_space<vmem>> -> memref<1x2x128xi32, #tpu.memory_space<vmem>>
        %dma_start3A_261 = tpu.memref_squeeze %dma_start3A_260 : memref<1x2x128xi32, #tpu.memory_space<vmem>> -> memref<2x128xi32, #tpu.memory_space<vmem>>
        %dma_start3A_262 = arith.constant 0 : i32
        %dma_start3A_263 = tpu.memref_slice %arg3[%dma_start3A_262, %mul3A_257] : memref<2x320000xi32, #tpu.memory_space<hbm>> -> memref<2x128xi32, #tpu.memory_space<hbm>>
        %dma_start3A_264 = tpu.memref_slice %arg9[%rem3A_254] : memref<4x!tpu.dma_semaphore, #tpu.memory_space<semaphore_mem>> -> memref<1x!tpu.dma_semaphore, #tpu.memory_space<semaphore_mem>>
        %dma_start3A_265 = tpu.memref_squeeze %dma_start3A_264 : memref<1x!tpu.dma_semaphore, #tpu.memory_space<semaphore_mem>> -> memref<!tpu.dma_semaphore, #tpu.memory_space<semaphore_mem>>
        %dma_start3A_266 = arith.constant 0 : i32
        %dma_start3A_267 = arith.constant 0 : i32
        %dma_start3A_268 = tpu.memref_slice %arg6[%rem3A_254, %dma_start3A_266, %dma_start3A_267] : memref<4x2x128xi32, #tpu.memory_space<vmem>> -> memref<1x2x128xi32, #tpu.memory_space<vmem>>
        %dma_start3A_269 = tpu.memref_squeeze %dma_start3A_268 : memref<1x2x128xi32, #tpu.memory_space<vmem>> -> memref<2x128xi32, #tpu.memory_space<vmem>>
        %dma_start3A_270 = arith.constant 0 : i32
        %dma_start3A_271 = tpu.memref_slice %arg3[%dma_start3A_270, %mul3A_257] : memref<2x320000xi32, #tpu.memory_space<hbm>> -> memref<2x128xi32, #tpu.memory_space<hbm>>
        tpu.enqueue_dma source(%dma_start3A_271 : memref<2x128xi32, #tpu.memory_space<hbm>>) target(%dma_start3A_269 : memref<2x128xi32, #tpu.memory_space<vmem>>) target_semaphore(%dma_start3A_265 : memref<!tpu.dma_semaphore, #tpu.memory_space<semaphore_mem>>)
      } else {
      }
      %add3A_224 = arith.constant 2 : i32
      %add3A_225 = arith.addi %while3A_217, %add3A_224 : i32
      %lt3A_226 = arith.cmpi slt, %add3A_225, %sub3A_47 : i32
      %convert_element_type3A_227 = arith.extui %lt3A_226 : i1 to i32
      %cond3A_228 = arith.constant 0 : i32
      %cond3A_229 = arith.cmpi ne, %convert_element_type3A_227, %cond3A_228 : i32
      scf.if %cond3A_229 {
        %add3A_251 = arith.constant 2 : i32
        %add3A_252 = arith.addi %while3A_217, %add3A_251 : i32
        %rem3A_253 = arith.constant 4 : i32
        %rem3A_254 = arith.remsi %add3A_252, %rem3A_253 : i32
        %add3A_255 = arith.addi %select_n3A, %add3A_252 : i32
        %mul3A_256 = arith.constant 128 : i32
        %mul3A_257 = arith.muli %add3A_255, %mul3A_256 : i32
        %dma_wait3A_258 = arith.constant 0 : i32
        %dma_wait3A_259 = arith.constant 0 : i32
        %dma_wait3A_260 = tpu.memref_slice %arg6[%rem3A_254, %dma_wait3A_258, %dma_wait3A_259] : memref<4x2x128xi32, #tpu.memory_space<vmem>> -> memref<1x2x128xi32, #tpu.memory_space<vmem>>
        %dma_wait3A_261 = tpu.memref_squeeze %dma_wait3A_260 : memref<1x2x128xi32, #tpu.memory_space<vmem>> -> memref<2x128xi32, #tpu.memory_space<vmem>>
        %dma_wait3A_262 = arith.constant 0 : i32
        %dma_wait3A_263 = tpu.memref_slice %arg3[%dma_wait3A_262, %mul3A_257] : memref<2x320000xi32, #tpu.memory_space<hbm>> -> memref<2x128xi32, #tpu.memory_space<hbm>>
        %dma_wait3A_264 = tpu.memref_slice %arg9[%rem3A_254] : memref<4x!tpu.dma_semaphore, #tpu.memory_space<semaphore_mem>> -> memref<1x!tpu.dma_semaphore, #tpu.memory_space<semaphore_mem>>
        %dma_wait3A_265 = tpu.memref_squeeze %dma_wait3A_264 : memref<1x!tpu.dma_semaphore, #tpu.memory_space<semaphore_mem>> -> memref<!tpu.dma_semaphore, #tpu.memory_space<semaphore_mem>>
        %dma_wait3A_266 = arith.constant 0 : i32
        %dma_wait3A_267 = arith.constant 0 : i32
        %dma_wait3A_268 = tpu.memref_slice %arg6[%rem3A_254, %dma_wait3A_266, %dma_wait3A_267] : memref<4x2x128xi32, #tpu.memory_space<vmem>> -> memref<1x2x128xi32, #tpu.memory_space<vmem>>
        %dma_wait3A_269 = tpu.memref_squeeze %dma_wait3A_268 : memref<1x2x128xi32, #tpu.memory_space<vmem>> -> memref<2x128xi32, #tpu.memory_space<vmem>>
        %dma_wait3A_270 = arith.constant 0 : i32
        %dma_wait3A_271 = tpu.memref_slice %arg3[%dma_wait3A_270, %mul3A_257] : memref<2x320000xi32, #tpu.memory_space<hbm>> -> memref<2x128xi32, #tpu.memory_space<hbm>>
        tpu.wait_dma2 semaphore(%dma_wait3A_265 : memref<!tpu.dma_semaphore, #tpu.memory_space<semaphore_mem>>) src(%dma_wait3A_271 : memref<2x128xi32, #tpu.memory_space<hbm>>) dst(%dma_wait3A_269 : memref<2x128xi32, #tpu.memory_space<vmem>>)
        %add3A_272 = arith.constant 2 : i32
        %add3A_273 = arith.addi %while3A_217, %add3A_272 : i32
        %rem3A_274 = arith.constant 3 : i32
        %rem3A_275 = arith.remsi %add3A_273, %rem3A_274 : i32
        %rem3A_276 = arith.constant 4 : i32
        %rem3A_277 = arith.remsi %add3A_273, %rem3A_276 : i32
        %dma_start3A_278 = arith.constant 0 : i32
        %dma_start3A_279 = arith.constant 0 : i32
        %dma_start3A_280 = arith.constant 0 : i32
        %dma_start3A_281 = tpu.memref_slice %arg7[%rem3A_275, %dma_start3A_279, %dma_start3A_280] : memref<3x128x128xf32, #tpu.memory_space<vmem>> -> memref<1x128x128xf32, #tpu.memory_space<vmem>>
        %dma_start3A_282 = tpu.memref_squeeze %dma_start3A_281 : memref<1x128x128xf32, #tpu.memory_space<vmem>> -> memref<128x128xf32, #tpu.memory_space<vmem>>
        %dma_start3A_283 = arith.constant 0 : i32
        %dma_start3A_284 = tpu.memref_slice %arg6[%rem3A_277, %dma_start3A_278, %dma_start3A_283] : memref<4x2x128xi32, #tpu.memory_space<vmem>> -> memref<1x1x128xi32, #tpu.memory_space<vmem>>
        %dma_start3A_285 = tpu.memref_squeeze %dma_start3A_284 : memref<1x1x128xi32, #tpu.memory_space<vmem>> -> memref<128xi32, #tpu.memory_space<vmem>>
        %dma_start3A_286 = arith.constant 0 : i32
        %dma_start3A_287 = arith.constant 0 : i32
        %dma_start3A_288 = tpu.memref_slice %arg2[%dma_start3A_286, %dma_start3A_287] : memref<10000x128xf32, #tpu.memory_space<hbm>> -> memref<10000x128xf32, #tpu.memory_space<hbm>>
        %dma_start3A_289 = tpu.memref_slice %arg10[%rem3A_275] : memref<3x!tpu.dma_semaphore, #tpu.memory_space<semaphore_mem>> -> memref<1x!tpu.dma_semaphore, #tpu.memory_space<semaphore_mem>>
        %dma_start3A_290 = tpu.memref_squeeze %dma_start3A_289 : memref<1x!tpu.dma_semaphore, #tpu.memory_space<semaphore_mem>> -> memref<!tpu.dma_semaphore, #tpu.memory_space<semaphore_mem>>
        tpu.enqueue_indirect_dma source(%dma_start3A_288 : memref<10000x128xf32, #tpu.memory_space<hbm>>) target(%dma_start3A_282 : memref<128x128xf32, #tpu.memory_space<vmem>>) offsets(%dma_start3A_285 : memref<128xi32, #tpu.memory_space<vmem>>) semaphore(%dma_start3A_290 : memref<!tpu.dma_semaphore, #tpu.memory_space<semaphore_mem>>)
      } else {
      }
      %rem3A_230 = arith.constant 3 : i32
      %rem3A_231 = arith.remsi %while3A_217, %rem3A_230 : i32
      %rem3A_232 = arith.constant 4 : i32
      %rem3A_233 = arith.remsi %while3A_217, %rem3A_232 : i32
      %dma_wait3A_234 = arith.constant 0 : i32
      %dma_wait3A_235 = arith.constant 0 : i32
      %dma_wait3A_236 = arith.constant 0 : i32
      %dma_wait3A_237 = tpu.memref_slice %arg7[%rem3A_231, %dma_wait3A_235, %dma_wait3A_236] : memref<3x128x128xf32, #tpu.memory_space<vmem>> -> memref<1x128x128xf32, #tpu.memory_space<vmem>>
      %dma_wait3A_238 = tpu.memref_squeeze %dma_wait3A_237 : memref<1x128x128xf32, #tpu.memory_space<vmem>> -> memref<128x128xf32, #tpu.memory_space<vmem>>
      %dma_wait3A_239 = arith.constant 0 : i32
      %dma_wait3A_240 = tpu.memref_slice %arg6[%rem3A_233, %dma_wait3A_234, %dma_wait3A_239] : memref<4x2x128xi32, #tpu.memory_space<vmem>> -> memref<1x1x128xi32, #tpu.memory_space<vmem>>
      %dma_wait3A_241 = tpu.memref_squeeze %dma_wait3A_240 : memref<1x1x128xi32, #tpu.memory_space<vmem>> -> memref<128xi32, #tpu.memory_space<vmem>>
      %dma_wait3A_242 = arith.constant 0 : i32
      %dma_wait3A_243 = arith.constant 0 : i32
      %dma_wait3A_244 = tpu.memref_slice %arg2[%dma_wait3A_242, %dma_wait3A_243] : memref<10000x128xf32, #tpu.memory_space<hbm>> -> memref<10000x128xf32, #tpu.memory_space<hbm>>
      %dma_wait3A_245 = tpu.memref_slice %arg10[%rem3A_231] : memref<3x!tpu.dma_semaphore, #tpu.memory_space<semaphore_mem>> -> memref<1x!tpu.dma_semaphore, #tpu.memory_space<semaphore_mem>>
      %dma_wait3A_246 = tpu.memref_squeeze %dma_wait3A_245 : memref<1x!tpu.dma_semaphore, #tpu.memory_space<semaphore_mem>> -> memref<!tpu.dma_semaphore, #tpu.memory_space<semaphore_mem>>
      tpu.wait_indirect_dma semaphore(%dma_wait3A_246 : memref<!tpu.dma_semaphore, #tpu.memory_space<semaphore_mem>>) src(%dma_wait3A_244 : memref<10000x128xf32, #tpu.memory_space<hbm>>) dst(%dma_wait3A_238 : memref<128x128xf32, #tpu.memory_space<vmem>>)
      %rem3A_247 = arith.constant 3 : i32
      %rem3A_248 = arith.remsi %while3A_217, %rem3A_247 : i32
      %rem3A_249 = arith.constant 4 : i32
      %rem3A_250 = arith.remsi %while3A_217, %rem3A_249 : i32
      %run_scoped3A = arith.constant 1 : i32
      "tpu.region"() ({
        %run_scoped3A_251 = tpu.sem_alloc : memref<!tpu.dma_semaphore, #tpu.memory_space<semaphore_mem>>
        %dma_start3A_252 = arith.constant 0 : i32
        %dma_start3A_253 = arith.constant 0 : i32
        %dma_start3A_254 = tpu.memref_slice %arg7[%rem3A_248, %dma_start3A_252, %dma_start3A_253] : memref<3x128x128xf32, #tpu.memory_space<vmem>> -> memref<1x128x128xf32, #tpu.memory_space<vmem>>
        %dma_start3A_255 = tpu.memref_squeeze %dma_start3A_254 : memref<1x128x128xf32, #tpu.memory_space<vmem>> -> memref<128x128xf32, #tpu.memory_space<vmem>>
        %dma_start3A_256 = arith.constant 0 : i32
        %dma_start3A_257 = tpu.memref_slice %arg6[%rem3A_250, %run_scoped3A, %dma_start3A_256] : memref<4x2x128xi32, #tpu.memory_space<vmem>> -> memref<1x1x128xi32, #tpu.memory_space<vmem>>
        %dma_start3A_258 = tpu.memref_squeeze %dma_start3A_257 : memref<1x1x128xi32, #tpu.memory_space<vmem>> -> memref<128xi32, #tpu.memory_space<vmem>>
        %dma_start3A_259 = arith.constant 0 : i32
        %dma_start3A_260 = arith.constant 0 : i32
        %dma_start3A_261 = tpu.memref_slice %arg8[%dma_start3A_259, %dma_start3A_260] : memref<10000x128xf32, #tpu.memory_space<vmem_shared>> -> memref<10000x128xf32, #tpu.memory_space<vmem_shared>>
        tpu.enqueue_indirect_dma source(%dma_start3A_255 : memref<128x128xf32, #tpu.memory_space<vmem>>) target(%dma_start3A_261 : memref<10000x128xf32, #tpu.memory_space<vmem_shared>>) offsets(%dma_start3A_258 : memref<128xi32, #tpu.memory_space<vmem>>) semaphore(%run_scoped3A_251 : memref<!tpu.dma_semaphore, #tpu.memory_space<semaphore_mem>>) {add = true}
        %dma_wait3A_262 = arith.constant 0 : i32
        %dma_wait3A_263 = arith.constant 0 : i32
        %dma_wait3A_264 = tpu.memref_slice %arg7[%rem3A_248, %dma_wait3A_262, %dma_wait3A_263] : memref<3x128x128xf32, #tpu.memory_space<vmem>> -> memref<1x128x128xf32, #tpu.memory_space<vmem>>
        %dma_wait3A_265 = tpu.memref_squeeze %dma_wait3A_264 : memref<1x128x128xf32, #tpu.memory_space<vmem>> -> memref<128x128xf32, #tpu.memory_space<vmem>>
        %dma_wait3A_266 = arith.constant 0 : i32
        %dma_wait3A_267 = tpu.memref_slice %arg6[%rem3A_250, %run_scoped3A, %dma_wait3A_266] : memref<4x2x128xi32, #tpu.memory_space<vmem>> -> memref<1x1x128xi32, #tpu.memory_space<vmem>>
        %dma_wait3A_268 = tpu.memref_squeeze %dma_wait3A_267 : memref<1x1x128xi32, #tpu.memory_space<vmem>> -> memref<128xi32, #tpu.memory_space<vmem>>
        %dma_wait3A_269 = arith.constant 0 : i32
        %dma_wait3A_270 = arith.constant 0 : i32
        %dma_wait3A_271 = tpu.memref_slice %arg8[%dma_wait3A_269, %dma_wait3A_270] : memref<10000x128xf32, #tpu.memory_space<vmem_shared>> -> memref<10000x128xf32, #tpu.memory_space<vmem_shared>>
        tpu.wait_indirect_dma semaphore(%run_scoped3A_251 : memref<!tpu.dma_semaphore, #tpu.memory_space<semaphore_mem>>) src(%dma_wait3A_265 : memref<128x128xf32, #tpu.memory_space<vmem>>) dst(%dma_wait3A_271 : memref<10000x128xf32, #tpu.memory_space<vmem_shared>>)
        tpu.yield
      }) : () -> ()
    }
    %while3A_205 = arith.constant 1 : i32
    scf.for %while3A_217 = %while3A_203 to %while3A_199 step %while3A_205  : i32 {
      %add3A_218 = arith.constant 3 : i32
      %add3A_219 = arith.addi %while3A_217, %add3A_218 : i32
      %lt3A_220 = arith.cmpi slt, %add3A_219, %sub3A_47 : i32
      %convert_element_type3A_221 = arith.extui %lt3A_220 : i1 to i32
      %cond3A_222 = arith.constant 0 : i32
      %cond3A_223 = arith.cmpi ne, %convert_element_type3A_221, %cond3A_222 : i32
      scf.if %cond3A_223 {
        %add3A_251 = arith.constant 3 : i32
        %add3A_252 = arith.addi %while3A_217, %add3A_251 : i32
        %rem3A_253 = arith.constant 4 : i32
        %rem3A_254 = arith.remsi %add3A_252, %rem3A_253 : i32
        %add3A_255 = arith.addi %select_n3A, %add3A_252 : i32
        %mul3A_256 = arith.constant 128 : i32
        %mul3A_257 = arith.muli %add3A_255, %mul3A_256 : i32
        %dma_start3A_258 = arith.constant 0 : i32
        %dma_start3A_259 = arith.constant 0 : i32
        %dma_start3A_260 = tpu.memref_slice %arg6[%rem3A_254, %dma_start3A_258, %dma_start3A_259] : memref<4x2x128xi32, #tpu.memory_space<vmem>> -> memref<1x2x128xi32, #tpu.memory_space<vmem>>
        %dma_start3A_261 = tpu.memref_squeeze %dma_start3A_260 : memref<1x2x128xi32, #tpu.memory_space<vmem>> -> memref<2x128xi32, #tpu.memory_space<vmem>>
        %dma_start3A_262 = arith.constant 0 : i32
        %dma_start3A_263 = tpu.memref_slice %arg3[%dma_start3A_262, %mul3A_257] : memref<2x320000xi32, #tpu.memory_space<hbm>> -> memref<2x128xi32, #tpu.memory_space<hbm>>
        %dma_start3A_264 = tpu.memref_slice %arg9[%rem3A_254] : memref<4x!tpu.dma_semaphore, #tpu.memory_space<semaphore_mem>> -> memref<1x!tpu.dma_semaphore, #tpu.memory_space<semaphore_mem>>
        %dma_start3A_265 = tpu.memref_squeeze %dma_start3A_264 : memref<1x!tpu.dma_semaphore, #tpu.memory_space<semaphore_mem>> -> memref<!tpu.dma_semaphore, #tpu.memory_space<semaphore_mem>>
        %dma_start3A_266 = arith.constant 0 : i32
        %dma_start3A_267 = arith.constant 0 : i32
        %dma_start3A_268 = tpu.memref_slice %arg6[%rem3A_254, %dma_start3A_266, %dma_start3A_267] : memref<4x2x128xi32, #tpu.memory_space<vmem>> -> memref<1x2x128xi32, #tpu.memory_space<vmem>>
        %dma_start3A_269 = tpu.memref_squeeze %dma_start3A_268 : memref<1x2x128xi32, #tpu.memory_space<vmem>> -> memref<2x128xi32, #tpu.memory_space<vmem>>
        %dma_start3A_270 = arith.constant 0 : i32
        %dma_start3A_271 = tpu.memref_slice %arg3[%dma_start3A_270, %mul3A_257] : memref<2x320000xi32, #tpu.memory_space<hbm>> -> memref<2x128xi32, #tpu.memory_space<hbm>>
        tpu.enqueue_dma source(%dma_start3A_271 : memref<2x128xi32, #tpu.memory_space<hbm>>) target(%dma_start3A_269 : memref<2x128xi32, #tpu.memory_space<vmem>>) target_semaphore(%dma_start3A_265 : memref<!tpu.dma_semaphore, #tpu.memory_space<semaphore_mem>>)
      } else {
      }
      %add3A_224 = arith.constant 2 : i32
      %add3A_225 = arith.addi %while3A_217, %add3A_224 : i32
      %lt3A_226 = arith.cmpi slt, %add3A_225, %sub3A_47 : i32
      %convert_element_type3A_227 = arith.extui %lt3A_226 : i1 to i32
      %cond3A_228 = arith.constant 0 : i32
      %cond3A_229 = arith.cmpi ne, %convert_element_type3A_227, %cond3A_228 : i32
      scf.if %cond3A_229 {
        %add3A_251 = arith.constant 2 : i32
        %add3A_252 = arith.addi %while3A_217, %add3A_251 : i32
        %rem3A_253 = arith.constant 4 : i32
        %rem3A_254 = arith.remsi %add3A_252, %rem3A_253 : i32
        %add3A_255 = arith.addi %select_n3A, %add3A_252 : i32
        %mul3A_256 = arith.constant 128 : i32
        %mul3A_257 = arith.muli %add3A_255, %mul3A_256 : i32
        %dma_wait3A_258 = arith.constant 0 : i32
        %dma_wait3A_259 = arith.constant 0 : i32
        %dma_wait3A_260 = tpu.memref_slice %arg6[%rem3A_254, %dma_wait3A_258, %dma_wait3A_259] : memref<4x2x128xi32, #tpu.memory_space<vmem>> -> memref<1x2x128xi32, #tpu.memory_space<vmem>>
        %dma_wait3A_261 = tpu.memref_squeeze %dma_wait3A_260 : memref<1x2x128xi32, #tpu.memory_space<vmem>> -> memref<2x128xi32, #tpu.memory_space<vmem>>
        %dma_wait3A_262 = arith.constant 0 : i32
        %dma_wait3A_263 = tpu.memref_slice %arg3[%dma_wait3A_262, %mul3A_257] : memref<2x320000xi32, #tpu.memory_space<hbm>> -> memref<2x128xi32, #tpu.memory_space<hbm>>
        %dma_wait3A_264 = tpu.memref_slice %arg9[%rem3A_254] : memref<4x!tpu.dma_semaphore, #tpu.memory_space<semaphore_mem>> -> memref<1x!tpu.dma_semaphore, #tpu.memory_space<semaphore_mem>>
        %dma_wait3A_265 = tpu.memref_squeeze %dma_wait3A_264 : memref<1x!tpu.dma_semaphore, #tpu.memory_space<semaphore_mem>> -> memref<!tpu.dma_semaphore, #tpu.memory_space<semaphore_mem>>
        %dma_wait3A_266 = arith.constant 0 : i32
        %dma_wait3A_267 = arith.constant 0 : i32
        %dma_wait3A_268 = tpu.memref_slice %arg6[%rem3A_254, %dma_wait3A_266, %dma_wait3A_267] : memref<4x2x128xi32, #tpu.memory_space<vmem>> -> memref<1x2x128xi32, #tpu.memory_space<vmem>>
        %dma_wait3A_269 = tpu.memref_squeeze %dma_wait3A_268 : memref<1x2x128xi32, #tpu.memory_space<vmem>> -> memref<2x128xi32, #tpu.memory_space<vmem>>
        %dma_wait3A_270 = arith.constant 0 : i32
        %dma_wait3A_271 = tpu.memref_slice %arg3[%dma_wait3A_270, %mul3A_257] : memref<2x320000xi32, #tpu.memory_space<hbm>> -> memref<2x128xi32, #tpu.memory_space<hbm>>
        tpu.wait_dma2 semaphore(%dma_wait3A_265 : memref<!tpu.dma_semaphore, #tpu.memory_space<semaphore_mem>>) src(%dma_wait3A_271 : memref<2x128xi32, #tpu.memory_space<hbm>>) dst(%dma_wait3A_269 : memref<2x128xi32, #tpu.memory_space<vmem>>)
        %add3A_272 = arith.constant 2 : i32
        %add3A_273 = arith.addi %while3A_217, %add3A_272 : i32
        %rem3A_274 = arith.constant 3 : i32
        %rem3A_275 = arith.remsi %add3A_273, %rem3A_274 : i32
        %rem3A_276 = arith.constant 4 : i32
        %rem3A_277 = arith.remsi %add3A_273, %rem3A_276 : i32
        %dma_start3A_278 = arith.constant 0 : i32
        %dma_start3A_279 = arith.constant 0 : i32
        %dma_start3A_280 = arith.constant 0 : i32
        %dma_start3A_281 = tpu.memref_slice %arg7[%rem3A_275, %dma_start3A_279, %dma_start3A_280] : memref<3x128x128xf32, #tpu.memory_space<vmem>> -> memref<1x128x128xf32, #tpu.memory_space<vmem>>
        %dma_start3A_282 = tpu.memref_squeeze %dma_start3A_281 : memref<1x128x128xf32, #tpu.memory_space<vmem>> -> memref<128x128xf32, #tpu.memory_space<vmem>>
        %dma_start3A_283 = arith.constant 0 : i32
        %dma_start3A_284 = tpu.memref_slice %arg6[%rem3A_277, %dma_start3A_278, %dma_start3A_283] : memref<4x2x128xi32, #tpu.memory_space<vmem>> -> memref<1x1x128xi32, #tpu.memory_space<vmem>>
        %dma_start3A_285 = tpu.memref_squeeze %dma_start3A_284 : memref<1x1x128xi32, #tpu.memory_space<vmem>> -> memref<128xi32, #tpu.memory_space<vmem>>
        %dma_start3A_286 = arith.constant 0 : i32
        %dma_start3A_287 = arith.constant 0 : i32
        %dma_start3A_288 = tpu.memref_slice %arg2[%dma_start3A_286, %dma_start3A_287] : memref<10000x128xf32, #tpu.memory_space<hbm>> -> memref<10000x128xf32, #tpu.memory_space<hbm>>
        %dma_start3A_289 = tpu.memref_slice %arg10[%rem3A_275] : memref<3x!tpu.dma_semaphore, #tpu.memory_space<semaphore_mem>> -> memref<1x!tpu.dma_semaphore, #tpu.memory_space<semaphore_mem>>
        %dma_start3A_290 = tpu.memref_squeeze %dma_start3A_289 : memref<1x!tpu.dma_semaphore, #tpu.memory_space<semaphore_mem>> -> memref<!tpu.dma_semaphore, #tpu.memory_space<semaphore_mem>>
        tpu.enqueue_indirect_dma source(%dma_start3A_288 : memref<10000x128xf32, #tpu.memory_space<hbm>>) target(%dma_start3A_282 : memref<128x128xf32, #tpu.memory_space<vmem>>) offsets(%dma_start3A_285 : memref<128xi32, #tpu.memory_space<vmem>>) semaphore(%dma_start3A_290 : memref<!tpu.dma_semaphore, #tpu.memory_space<semaphore_mem>>)
      } else {
      }
      %rem3A_230 = arith.constant 3 : i32
      %rem3A_231 = arith.remsi %while3A_217, %rem3A_230 : i32
      %rem3A_232 = arith.constant 4 : i32
      %rem3A_233 = arith.remsi %while3A_217, %rem3A_232 : i32
      %dma_wait3A_234 = arith.constant 0 : i32
      %dma_wait3A_235 = arith.constant 0 : i32
      %dma_wait3A_236 = arith.constant 0 : i32
      %dma_wait3A_237 = tpu.memref_slice %arg7[%rem3A_231, %dma_wait3A_235, %dma_wait3A_236] : memref<3x128x128xf32, #tpu.memory_space<vmem>> -> memref<1x128x128xf32, #tpu.memory_space<vmem>>
      %dma_wait3A_238 = tpu.memref_squeeze %dma_wait3A_237 : memref<1x128x128xf32, #tpu.memory_space<vmem>> -> memref<128x128xf32, #tpu.memory_space<vmem>>
      %dma_wait3A_239 = arith.constant 0 : i32
      %dma_wait3A_240 = tpu.memref_slice %arg6[%rem3A_233, %dma_wait3A_234, %dma_wait3A_239] : memref<4x2x128xi32, #tpu.memory_space<vmem>> -> memref<1x1x128xi32, #tpu.memory_space<vmem>>
      %dma_wait3A_241 = tpu.memref_squeeze %dma_wait3A_240 : memref<1x1x128xi32, #tpu.memory_space<vmem>> -> memref<128xi32, #tpu.memory_space<vmem>>
      %dma_wait3A_242 = arith.constant 0 : i32
      %dma_wait3A_243 = arith.constant 0 : i32
      %dma_wait3A_244 = tpu.memref_slice %arg2[%dma_wait3A_242, %dma_wait3A_243] : memref<10000x128xf32, #tpu.memory_space<hbm>> -> memref<10000x128xf32, #tpu.memory_space<hbm>>
      %dma_wait3A_245 = tpu.memref_slice %arg10[%rem3A_231] : memref<3x!tpu.dma_semaphore, #tpu.memory_space<semaphore_mem>> -> memref<1x!tpu.dma_semaphore, #tpu.memory_space<semaphore_mem>>
      %dma_wait3A_246 = tpu.memref_squeeze %dma_wait3A_245 : memref<1x!tpu.dma_semaphore, #tpu.memory_space<semaphore_mem>> -> memref<!tpu.dma_semaphore, #tpu.memory_space<semaphore_mem>>
      tpu.wait_indirect_dma semaphore(%dma_wait3A_246 : memref<!tpu.dma_semaphore, #tpu.memory_space<semaphore_mem>>) src(%dma_wait3A_244 : memref<10000x128xf32, #tpu.memory_space<hbm>>) dst(%dma_wait3A_238 : memref<128x128xf32, #tpu.memory_space<vmem>>)
      %rem3A_247 = arith.constant 3 : i32
      %rem3A_248 = arith.remsi %while3A_217, %rem3A_247 : i32
      %rem3A_249 = arith.constant 4 : i32
      %rem3A_250 = arith.remsi %while3A_217, %rem3A_249 : i32
      %run_scoped3A = arith.constant 1 : i32
      "tpu.region"() ({
        %run_scoped3A_251 = tpu.sem_alloc : memref<!tpu.dma_semaphore, #tpu.memory_space<semaphore_mem>>
        %dma_start3A_252 = arith.constant 0 : i32
        %dma_start3A_253 = arith.constant 0 : i32
        %dma_start3A_254 = tpu.memref_slice %arg7[%rem3A_248, %dma_start3A_252, %dma_start3A_253] : memref<3x128x128xf32, #tpu.memory_space<vmem>> -> memref<1x128x128xf32, #tpu.memory_space<vmem>>
        %dma_start3A_255 = tpu.memref_squeeze %dma_start3A_254 : memref<1x128x128xf32, #tpu.memory_space<vmem>> -> memref<128x128xf32, #tpu.memory_space<vmem>>
        %dma_start3A_256 = arith.constant 0 : i32
        %dma_start3A_257 = tpu.memref_slice %arg6[%rem3A_250, %run_scoped3A, %dma_start3A_256] : memref<4x2x128xi32, #tpu.memory_space<vmem>> -> memref<1x1x128xi32, #tpu.memory_space<vmem>>
        %dma_start3A_258 = tpu.memref_squeeze %dma_start3A_257 : memref<1x1x128xi32, #tpu.memory_space<vmem>> -> memref<128xi32, #tpu.memory_space<vmem>>
        %dma_start3A_259 = arith.constant 0 : i32
        %dma_start3A_260 = arith.constant 0 : i32
        %dma_start3A_261 = tpu.memref_slice %arg8[%dma_start3A_259, %dma_start3A_260] : memref<10000x128xf32, #tpu.memory_space<vmem_shared>> -> memref<10000x128xf32, #tpu.memory_space<vmem_shared>>
        tpu.enqueue_indirect_dma source(%dma_start3A_255 : memref<128x128xf32, #tpu.memory_space<vmem>>) target(%dma_start3A_261 : memref<10000x128xf32, #tpu.memory_space<vmem_shared>>) offsets(%dma_start3A_258 : memref<128xi32, #tpu.memory_space<vmem>>) semaphore(%run_scoped3A_251 : memref<!tpu.dma_semaphore, #tpu.memory_space<semaphore_mem>>) {add = true}
        %dma_wait3A_262 = arith.constant 0 : i32
        %dma_wait3A_263 = arith.constant 0 : i32
        %dma_wait3A_264 = tpu.memref_slice %arg7[%rem3A_248, %dma_wait3A_262, %dma_wait3A_263] : memref<3x128x128xf32, #tpu.memory_space<vmem>> -> memref<1x128x128xf32, #tpu.memory_space<vmem>>
        %dma_wait3A_265 = tpu.memref_squeeze %dma_wait3A_264 : memref<1x128x128xf32, #tpu.memory_space<vmem>> -> memref<128x128xf32, #tpu.memory_space<vmem>>
        %dma_wait3A_266 = arith.constant 0 : i32
        %dma_wait3A_267 = tpu.memref_slice %arg6[%rem3A_250, %run_scoped3A, %dma_wait3A_266] : memref<4x2x128xi32, #tpu.memory_space<vmem>> -> memref<1x1x128xi32, #tpu.memory_space<vmem>>
        %dma_wait3A_268 = tpu.memref_squeeze %dma_wait3A_267 : memref<1x1x128xi32, #tpu.memory_space<vmem>> -> memref<128xi32, #tpu.memory_space<vmem>>
        %dma_wait3A_269 = arith.constant 0 : i32
        %dma_wait3A_270 = arith.constant 0 : i32
        %dma_wait3A_271 = tpu.memref_slice %arg8[%dma_wait3A_269, %dma_wait3A_270] : memref<10000x128xf32, #tpu.memory_space<vmem_shared>> -> memref<10000x128xf32, #tpu.memory_space<vmem_shared>>
        tpu.wait_indirect_dma semaphore(%run_scoped3A_251 : memref<!tpu.dma_semaphore, #tpu.memory_space<semaphore_mem>>) src(%dma_wait3A_265 : memref<128x128xf32, #tpu.memory_space<vmem>>) dst(%dma_wait3A_271 : memref<10000x128xf32, #tpu.memory_space<vmem_shared>>)
        tpu.yield
      }) : () -> ()
    }
    %barrier3A_206 = arith.constant 0 : index
    tpu.barrier barrier_id(%barrier3A_206)
    %lt3A_207 = arith.constant 15 : i32
    %lt3A_208 = arith.cmpi slt, %arg1, %lt3A_207 : i32
    %convert_element_type3A_209 = arith.extui %lt3A_208 : i1 to i32
    %cond3A_210 = arith.constant 0 : i32
    %cond3A_211 = arith.cmpi ne, %convert_element_type3A_209, %cond3A_210 : i32
    scf.if %cond3A_211 {
      %mul3A_217 = arith.constant 10000 : i32
      %mul3A_218 = arith.muli %arg0, %mul3A_217 : i32
      %add3A_219 = arith.addi %mul3A_218, %mul3A_49 : i32
      "tpu.region"() ({
        %run_scoped3A = tpu.sem_alloc : memref<!tpu.dma_semaphore, #tpu.memory_space<semaphore_mem>>
        %dma_start3A_220 = arith.constant 0 : i32
        %dma_start3A_221 = tpu.memref_slice %arg5[%add3A_219, %dma_start3A_220] : memref<20000x128xf32, #tpu.memory_space<hbm>> -> memref<632x128xf32, #tpu.memory_space<hbm>>
        %dma_start3A_222 = arith.constant 0 : i32
        %dma_start3A_223 = tpu.memref_slice %arg8[%mul3A_49, %dma_start3A_222] : memref<10000x128xf32, #tpu.memory_space<vmem_shared>> -> memref<632x128xf32, #tpu.memory_space<vmem_shared>>
        tpu.enqueue_dma source(%dma_start3A_223 : memref<632x128xf32, #tpu.memory_space<vmem_shared>>) target(%dma_start3A_221 : memref<632x128xf32, #tpu.memory_space<hbm>>) target_semaphore(%run_scoped3A : memref<!tpu.dma_semaphore, #tpu.memory_space<semaphore_mem>>)
        %dma_wait3A_224 = arith.constant 0 : i32
        %dma_wait3A_225 = tpu.memref_slice %arg5[%add3A_219, %dma_wait3A_224] : memref<20000x128xf32, #tpu.memory_space<hbm>> -> memref<632x128xf32, #tpu.memory_space<hbm>>
        %dma_wait3A_226 = arith.constant 0 : i32
        %dma_wait3A_227 = tpu.memref_slice %arg8[%mul3A_49, %dma_wait3A_226] : memref<10000x128xf32, #tpu.memory_space<vmem_shared>> -> memref<632x128xf32, #tpu.memory_space<vmem_shared>>
        tpu.wait_dma2 semaphore(%run_scoped3A : memref<!tpu.dma_semaphore, #tpu.memory_space<semaphore_mem>>) src(%dma_wait3A_227 : memref<632x128xf32, #tpu.memory_space<vmem_shared>>) dst(%dma_wait3A_225 : memref<632x128xf32, #tpu.memory_space<hbm>>)
        tpu.yield
      }) : () -> ()
    } else {
    }
    %eq3A_212 = arith.constant 15 : i32
    %eq3A_213 = arith.cmpi eq, %arg1, %eq3A_212 : i32
    %convert_element_type3A_214 = arith.extui %eq3A_213 : i1 to i32
    %cond3A_215 = arith.constant 0 : i32
    %cond3A_216 = arith.cmpi ne, %convert_element_type3A_214, %cond3A_215 : i32
    scf.if %cond3A_216 {
      %mul3A_217 = arith.constant 10000 : i32
      %mul3A_218 = arith.muli %arg0, %mul3A_217 : i32
      %add3A_219 = arith.addi %mul3A_218, %mul3A_49 : i32
      "tpu.region"() ({
        %run_scoped3A = tpu.sem_alloc : memref<!tpu.dma_semaphore, #tpu.memory_space<semaphore_mem>>
        %dma_start3A_220 = arith.constant 0 : i32
        %dma_start3A_221 = tpu.memref_slice %arg5[%add3A_219, %dma_start3A_220] : memref<20000x128xf32, #tpu.memory_space<hbm>> -> memref<520x128xf32, #tpu.memory_space<hbm>>
        %dma_start3A_222 = arith.constant 0 : i32
        %dma_start3A_223 = tpu.memref_slice %arg8[%mul3A_49, %dma_start3A_222] : memref<10000x128xf32, #tpu.memory_space<vmem_shared>> -> memref<520x128xf32, #tpu.memory_space<vmem_shared>>
        tpu.enqueue_dma source(%dma_start3A_223 : memref<520x128xf32, #tpu.memory_space<vmem_shared>>) target(%dma_start3A_221 : memref<520x128xf32, #tpu.memory_space<hbm>>) target_semaphore(%run_scoped3A : memref<!tpu.dma_semaphore, #tpu.memory_space<semaphore_mem>>)
        %dma_wait3A_224 = arith.constant 0 : i32
        %dma_wait3A_225 = tpu.memref_slice %arg5[%add3A_219, %dma_wait3A_224] : memref<20000x128xf32, #tpu.memory_space<hbm>> -> memref<520x128xf32, #tpu.memory_space<hbm>>
        %dma_wait3A_226 = arith.constant 0 : i32
        %dma_wait3A_227 = tpu.memref_slice %arg8[%mul3A_49, %dma_wait3A_226] : memref<10000x128xf32, #tpu.memory_space<vmem_shared>> -> memref<520x128xf32, #tpu.memory_space<vmem_shared>>
        tpu.wait_dma2 semaphore(%run_scoped3A : memref<!tpu.dma_semaphore, #tpu.memory_space<semaphore_mem>>) src(%dma_wait3A_227 : memref<520x128xf32, #tpu.memory_space<vmem_shared>>) dst(%dma_wait3A_225 : memref<520x128xf32, #tpu.memory_space<hbm>>)
        tpu.yield
      }) : () -> ()
    } else {
    }
    return
  }
}

#map = affine_map<(d0, d1) -> (0, 0)>
#map1 = affine_map<(d0, d1) -> (0, 0, 0)>
module attributes {stable_mosaic.version = 14 : i64} {
  func.func @deg_kernel(%arg0: i32, %arg1: i32, %arg2: memref<2x320000xi32, #tpu.memory_space<hbm>>, %arg3: memref<1x10000xi32, #tpu.memory_space<hbm>>, %arg4: memref<64x1x10000xi32, #tpu.memory_space<hbm>>, %arg5: memref<1x10000xi32, #tpu.memory_space<vmem>>, %arg6: memref<1x10000xi32, #tpu.memory_space<vmem>>, %arg7: memref<2x11264xi32, #tpu.memory_space<vmem>>) attributes {dimension_semantics = [#tpu.dimension_semantics<core_parallel>, #tpu.dimension_semantics<subcore_parallel>], iteration_bounds = array<i64: 2, 16>, scalar_prefetch = 0 : i64, scratch_operands = 3 : i64, tpu.core_type = #tpu.core_type<sc_vector_subcore>, window_params = [{transform_indices = #map}, {transform_indices = #map}, {transform_indices = #map1}]} {
    %mul3A = arith.constant 2 : i32
    %mul3A_0 = arith.muli %arg1, %mul3A : i32
    %add3A = arith.addi %mul3A_0, %arg0 : i32
    %mul3A_1 = arith.constant 2500 : i32
    %mul3A_2 = arith.muli %add3A, %mul3A_1 : i32
    %jit3A = arith.constant 32 : i32
    %div3A = arith.divsi %mul3A_2, %jit3A : i32
    %sign3A = arith.constant 0 : i32
    %sign3A_3 = arith.cmpi sgt, %mul3A_2, %sign3A : i32
    %sign3A_4 = arith.extui %sign3A_3 : i1 to i32
    %sign3A_5 = arith.constant 0 : i32
    %sign3A_6 = arith.cmpi slt, %mul3A_2, %sign3A_5 : i32
    %sign3A_7 = arith.extui %sign3A_6 : i1 to i32
    %sign3A_8 = arith.subi %sign3A_4, %sign3A_7 : i32
    %sign3A_9 = arith.constant 0 : i32
    %sign3A_10 = arith.cmpi sgt, %jit3A, %sign3A_9 : i32
    %sign3A_11 = arith.extui %sign3A_10 : i1 to i32
    %sign3A_12 = arith.constant 0 : i32
    %sign3A_13 = arith.cmpi slt, %jit3A, %sign3A_12 : i32
    %sign3A_14 = arith.extui %sign3A_13 : i1 to i32
    %sign3A_15 = arith.subi %sign3A_11, %sign3A_14 : i32
    %ne3A = arith.cmpi ne, %sign3A_8, %sign3A_15 : i32
    %rem3A = arith.remsi %mul3A_2, %jit3A : i32
    %ne3A_16 = arith.constant 0 : i32
    %ne3A_17 = arith.cmpi ne, %rem3A, %ne3A_16 : i32
    %and3A = arith.andi %ne3A, %ne3A_17 : i1
    %sub3A = arith.constant 1 : i32
    %sub3A_18 = arith.subi %div3A, %sub3A : i32
    %select_n3A = arith.select %and3A, %sub3A_18, %div3A : i32
    %add3A_19 = arith.constant 1 : i32
    %add3A_20 = arith.addi %add3A, %add3A_19 : i32
    %mul3A_21 = arith.constant 2500 : i32
    %mul3A_22 = arith.muli %add3A_20, %mul3A_21 : i32
    %jit3A_23 = arith.constant 32 : i32
    %div3A_24 = arith.divsi %mul3A_22, %jit3A_23 : i32
    %sign3A_25 = arith.constant 0 : i32
    %sign3A_26 = arith.cmpi sgt, %mul3A_22, %sign3A_25 : i32
    %sign3A_27 = arith.extui %sign3A_26 : i1 to i32
    %sign3A_28 = arith.constant 0 : i32
    %sign3A_29 = arith.cmpi slt, %mul3A_22, %sign3A_28 : i32
    %sign3A_30 = arith.extui %sign3A_29 : i1 to i32
    %sign3A_31 = arith.subi %sign3A_27, %sign3A_30 : i32
    %sign3A_32 = arith.constant 0 : i32
    %sign3A_33 = arith.cmpi sgt, %jit3A_23, %sign3A_32 : i32
    %sign3A_34 = arith.extui %sign3A_33 : i1 to i32
    %sign3A_35 = arith.constant 0 : i32
    %sign3A_36 = arith.cmpi slt, %jit3A_23, %sign3A_35 : i32
    %sign3A_37 = arith.extui %sign3A_36 : i1 to i32
    %sign3A_38 = arith.subi %sign3A_34, %sign3A_37 : i32
    %ne3A_39 = arith.cmpi ne, %sign3A_31, %sign3A_38 : i32
    %rem3A_40 = arith.remsi %mul3A_22, %jit3A_23 : i32
    %ne3A_41 = arith.constant 0 : i32
    %ne3A_42 = arith.cmpi ne, %rem3A_40, %ne3A_41 : i32
    %and3A_43 = arith.andi %ne3A_39, %ne3A_42 : i1
    %sub3A_44 = arith.constant 1 : i32
    %sub3A_45 = arith.subi %div3A_24, %sub3A_44 : i32
    %select_n3A_46 = arith.select %and3A_43, %sub3A_45, %div3A_24 : i32
    %min3A = arith.constant 2412 : i32
    %min3A_47 = arith.minsi %select_n3A, %min3A : i32
    %mul3A_48 = arith.constant 128 : i32
    %mul3A_49 = arith.muli %min3A_47, %mul3A_48 : i32
    "tpu.region"() ({
      %run_scoped3A = tpu.sem_alloc : memref<!tpu.dma_semaphore, #tpu.memory_space<semaphore_mem>>
      %dma_start3A = arith.constant 0 : i32
      %dma_start3A_70 = tpu.memref_slice %arg2[%dma_start3A, %mul3A_49] : memref<2x320000xi32, #tpu.memory_space<hbm>> -> memref<2x11264xi32, #tpu.memory_space<hbm>>
      %dma_start3A_71 = arith.constant 0 : i32
      %dma_start3A_72 = tpu.memref_slice %arg2[%dma_start3A_71, %mul3A_49] : memref<2x320000xi32, #tpu.memory_space<hbm>> -> memref<2x11264xi32, #tpu.memory_space<hbm>>
      tpu.enqueue_dma source(%dma_start3A_72 : memref<2x11264xi32, #tpu.memory_space<hbm>>) target(%arg7 : memref<2x11264xi32, #tpu.memory_space<vmem>>) target_semaphore(%run_scoped3A : memref<!tpu.dma_semaphore, #tpu.memory_space<semaphore_mem>>)
      %dma_wait3A = arith.constant 0 : i32
      %dma_wait3A_73 = tpu.memref_slice %arg2[%dma_wait3A, %mul3A_49] : memref<2x320000xi32, #tpu.memory_space<hbm>> -> memref<2x11264xi32, #tpu.memory_space<hbm>>
      %dma_wait3A_74 = arith.constant 0 : i32
      %dma_wait3A_75 = tpu.memref_slice %arg2[%dma_wait3A_74, %mul3A_49] : memref<2x320000xi32, #tpu.memory_space<hbm>> -> memref<2x11264xi32, #tpu.memory_space<hbm>>
      tpu.wait_dma2 semaphore(%run_scoped3A : memref<!tpu.dma_semaphore, #tpu.memory_space<semaphore_mem>>) src(%dma_wait3A_75 : memref<2x11264xi32, #tpu.memory_space<hbm>>) dst(%arg7 : memref<2x11264xi32, #tpu.memory_space<vmem>>)
      tpu.yield
    }) : () -> ()
    "tpu.region"() ({
      %run_scoped3A = tpu.sem_alloc : memref<!tpu.dma_semaphore, #tpu.memory_space<semaphore_mem>>
      tpu.enqueue_dma source(%arg3 : memref<1x10000xi32, #tpu.memory_space<hbm>>) target(%arg5 : memref<1x10000xi32, #tpu.memory_space<vmem>>) target_semaphore(%run_scoped3A : memref<!tpu.dma_semaphore, #tpu.memory_space<semaphore_mem>>)
      tpu.wait_dma2 semaphore(%run_scoped3A : memref<!tpu.dma_semaphore, #tpu.memory_space<semaphore_mem>>) src(%arg3 : memref<1x10000xi32, #tpu.memory_space<hbm>>) dst(%arg5 : memref<1x10000xi32, #tpu.memory_space<vmem>>)
      tpu.yield
    }) : () -> ()
    "tpu.region"() ({
      %run_scoped3A = tpu.sem_alloc : memref<!tpu.dma_semaphore, #tpu.memory_space<semaphore_mem>>
      tpu.enqueue_dma source(%arg3 : memref<1x10000xi32, #tpu.memory_space<hbm>>) target(%arg6 : memref<1x10000xi32, #tpu.memory_space<vmem>>) target_semaphore(%run_scoped3A : memref<!tpu.dma_semaphore, #tpu.memory_space<semaphore_mem>>)
      tpu.wait_dma2 semaphore(%run_scoped3A : memref<!tpu.dma_semaphore, #tpu.memory_space<semaphore_mem>>) src(%arg3 : memref<1x10000xi32, #tpu.memory_space<hbm>>) dst(%arg6 : memref<1x10000xi32, #tpu.memory_space<vmem>>)
      tpu.yield
    }) : () -> ()
    %broadcast_in_dim3A = arith.constant 1 : i32
    %broadcast_in_dim3A_50 = vector.broadcast %broadcast_in_dim3A : i32 to vector<16xi32>
    %broadcast_in_dim3A_51 = arith.constant 0 : i32
    %broadcast_in_dim3A_52 = vector.broadcast %broadcast_in_dim3A_51 : i32 to vector<16xi32>
    %sub3A_53 = arith.subi %select_n3A, %min3A_47 : i32
    %mul3A_54 = arith.constant 128 : i32
    %mul3A_55 = arith.muli %sub3A_53, %mul3A_54 : i32
    %sub3A_56 = arith.subi %select_n3A_46, %select_n3A : i32
    %mul3A_57 = arith.constant 2 : i32
    %mul3A_58 = arith.muli %sub3A_56, %mul3A_57 : i32
    %while3A = arith.constant 0 : i32
    %while3A_59 = arith.constant 0 : i32
    %while3A_60 = arith.subi %mul3A_58, %while3A_59 : i32
    %while3A_61 = arith.addi %while3A_59, %while3A_60 : i32
    %while3A_62 = arith.constant 1 : i32
    %while3A_63 = arith.divsi %while3A_60, %while3A_62 : i32
    %while3A_64 = arith.muli %while3A_63, %while3A_62 : i32
    %while3A_65 = arith.addi %while3A_59, %while3A_64 : i32
    %while3A_66 = arith.constant 1 : i32
    scf.for %while3A_70 = %while3A_59 to %while3A_65 step %while3A_66  : i32 {
      %mul3A_71 = arith.constant 4 : i32
      %mul3A_72 = arith.muli %while3A_70, %mul3A_71 : i32
      %mul3A_73 = arith.constant 16 : i32
      %mul3A_74 = arith.muli %mul3A_72, %mul3A_73 : i32
      %add3A_75 = arith.addi %mul3A_55, %mul3A_74 : i32
      %add3A_76 = arith.constant 0 : i32
      %add3A_77 = arith.addi %add3A_75, %add3A_76 : i32
      %get3A = arith.constant 0 : i32
      %get3A_78 = arith.index_cast %get3A : i32 to index
      %get3A_79 = arith.index_cast %add3A_77 : i32 to index
      %get3A_80 = tpu.vector_load %arg7[%get3A_78, %get3A_79] {strides = array<i32>} : memref<2x11264xi32, #tpu.memory_space<vmem>>, vector<16xi32>,
      tpu.vector_store_idx %arg5[%broadcast_in_dim3A_52, %get3A_80], %broadcast_in_dim3A_50 {add = true} : memref<1x10000xi32, #tpu.memory_space<vmem>>[vector<16xi32>, vector<16xi32>], vector<16xi32>,
      %get3A_81 = arith.constant 1 : i32
      %get3A_82 = arith.index_cast %get3A_81 : i32 to index
      %get3A_83 = arith.index_cast %add3A_77 : i32 to index
      %get3A_84 = tpu.vector_load %arg7[%get3A_82, %get3A_83] {strides = array<i32>} : memref<2x11264xi32, #tpu.memory_space<vmem>>, vector<16xi32>,
      tpu.vector_store_idx %arg6[%broadcast_in_dim3A_52, %get3A_84], %broadcast_in_dim3A_50 {add = true} : memref<1x10000xi32, #tpu.memory_space<vmem>>[vector<16xi32>, vector<16xi32>], vector<16xi32>,
      %add3A_85 = arith.constant 16 : i32
      %add3A_86 = arith.addi %add3A_75, %add3A_85 : i32
      %get3A_87 = arith.constant 0 : i32
      %get3A_88 = arith.index_cast %get3A_87 : i32 to index
      %get3A_89 = arith.index_cast %add3A_86 : i32 to index
      %get3A_90 = tpu.vector_load %arg7[%get3A_88, %get3A_89] {strides = array<i32>} : memref<2x11264xi32, #tpu.memory_space<vmem>>, vector<16xi32>,
      tpu.vector_store_idx %arg5[%broadcast_in_dim3A_52, %get3A_90], %broadcast_in_dim3A_50 {add = true} : memref<1x10000xi32, #tpu.memory_space<vmem>>[vector<16xi32>, vector<16xi32>], vector<16xi32>,
      %get3A_91 = arith.constant 1 : i32
      %get3A_92 = arith.index_cast %get3A_91 : i32 to index
      %get3A_93 = arith.index_cast %add3A_86 : i32 to index
      %get3A_94 = tpu.vector_load %arg7[%get3A_92, %get3A_93] {strides = array<i32>} : memref<2x11264xi32, #tpu.memory_space<vmem>>, vector<16xi32>,
      tpu.vector_store_idx %arg6[%broadcast_in_dim3A_52, %get3A_94], %broadcast_in_dim3A_50 {add = true} : memref<1x10000xi32, #tpu.memory_space<vmem>>[vector<16xi32>, vector<16xi32>], vector<16xi32>,
      %add3A_95 = arith.constant 32 : i32
      %add3A_96 = arith.addi %add3A_75, %add3A_95 : i32
      %get3A_97 = arith.constant 0 : i32
      %get3A_98 = arith.index_cast %get3A_97 : i32 to index
      %get3A_99 = arith.index_cast %add3A_96 : i32 to index
      %get3A_100 = tpu.vector_load %arg7[%get3A_98, %get3A_99] {strides = array<i32>} : memref<2x11264xi32, #tpu.memory_space<vmem>>, vector<16xi32>,
      tpu.vector_store_idx %arg5[%broadcast_in_dim3A_52, %get3A_100], %broadcast_in_dim3A_50 {add = true} : memref<1x10000xi32, #tpu.memory_space<vmem>>[vector<16xi32>, vector<16xi32>], vector<16xi32>,
      %get3A_101 = arith.constant 1 : i32
      %get3A_102 = arith.index_cast %get3A_101 : i32 to index
      %get3A_103 = arith.index_cast %add3A_96 : i32 to index
      %get3A_104 = tpu.vector_load %arg7[%get3A_102, %get3A_103] {strides = array<i32>} : memref<2x11264xi32, #tpu.memory_space<vmem>>, vector<16xi32>,
      tpu.vector_store_idx %arg6[%broadcast_in_dim3A_52, %get3A_104], %broadcast_in_dim3A_50 {add = true} : memref<1x10000xi32, #tpu.memory_space<vmem>>[vector<16xi32>, vector<16xi32>], vector<16xi32>,
      %add3A_105 = arith.constant 48 : i32
      %add3A_106 = arith.addi %add3A_75, %add3A_105 : i32
      %get3A_107 = arith.constant 0 : i32
      %get3A_108 = arith.index_cast %get3A_107 : i32 to index
      %get3A_109 = arith.index_cast %add3A_106 : i32 to index
      %get3A_110 = tpu.vector_load %arg7[%get3A_108, %get3A_109] {strides = array<i32>} : memref<2x11264xi32, #tpu.memory_space<vmem>>, vector<16xi32>,
      tpu.vector_store_idx %arg5[%broadcast_in_dim3A_52, %get3A_110], %broadcast_in_dim3A_50 {add = true} : memref<1x10000xi32, #tpu.memory_space<vmem>>[vector<16xi32>, vector<16xi32>], vector<16xi32>,
      %get3A_111 = arith.constant 1 : i32
      %get3A_112 = arith.index_cast %get3A_111 : i32 to index
      %get3A_113 = arith.index_cast %add3A_106 : i32 to index
      %get3A_114 = tpu.vector_load %arg7[%get3A_112, %get3A_113] {strides = array<i32>} : memref<2x11264xi32, #tpu.memory_space<vmem>>, vector<16xi32>,
      tpu.vector_store_idx %arg6[%broadcast_in_dim3A_52, %get3A_114], %broadcast_in_dim3A_50 {add = true} : memref<1x10000xi32, #tpu.memory_space<vmem>>[vector<16xi32>, vector<16xi32>], vector<16xi32>,
    }
    %while3A_67 = arith.constant 1 : i32
    scf.for %while3A_70 = %while3A_65 to %while3A_61 step %while3A_67  : i32 {
      %mul3A_71 = arith.constant 4 : i32
      %mul3A_72 = arith.muli %while3A_70, %mul3A_71 : i32
      %mul3A_73 = arith.constant 16 : i32
      %mul3A_74 = arith.muli %mul3A_72, %mul3A_73 : i32
      %add3A_75 = arith.addi %mul3A_55, %mul3A_74 : i32
      %add3A_76 = arith.constant 0 : i32
      %add3A_77 = arith.addi %add3A_75, %add3A_76 : i32
      %get3A = arith.constant 0 : i32
      %get3A_78 = arith.index_cast %get3A : i32 to index
      %get3A_79 = arith.index_cast %add3A_77 : i32 to index
      %get3A_80 = tpu.vector_load %arg7[%get3A_78, %get3A_79] {strides = array<i32>} : memref<2x11264xi32, #tpu.memory_space<vmem>>, vector<16xi32>,
      tpu.vector_store_idx %arg5[%broadcast_in_dim3A_52, %get3A_80], %broadcast_in_dim3A_50 {add = true} : memref<1x10000xi32, #tpu.memory_space<vmem>>[vector<16xi32>, vector<16xi32>], vector<16xi32>,
      %get3A_81 = arith.constant 1 : i32
      %get3A_82 = arith.index_cast %get3A_81 : i32 to index
      %get3A_83 = arith.index_cast %add3A_77 : i32 to index
      %get3A_84 = tpu.vector_load %arg7[%get3A_82, %get3A_83] {strides = array<i32>} : memref<2x11264xi32, #tpu.memory_space<vmem>>, vector<16xi32>,
      tpu.vector_store_idx %arg6[%broadcast_in_dim3A_52, %get3A_84], %broadcast_in_dim3A_50 {add = true} : memref<1x10000xi32, #tpu.memory_space<vmem>>[vector<16xi32>, vector<16xi32>], vector<16xi32>,
      %add3A_85 = arith.constant 16 : i32
      %add3A_86 = arith.addi %add3A_75, %add3A_85 : i32
      %get3A_87 = arith.constant 0 : i32
      %get3A_88 = arith.index_cast %get3A_87 : i32 to index
      %get3A_89 = arith.index_cast %add3A_86 : i32 to index
      %get3A_90 = tpu.vector_load %arg7[%get3A_88, %get3A_89] {strides = array<i32>} : memref<2x11264xi32, #tpu.memory_space<vmem>>, vector<16xi32>,
      tpu.vector_store_idx %arg5[%broadcast_in_dim3A_52, %get3A_90], %broadcast_in_dim3A_50 {add = true} : memref<1x10000xi32, #tpu.memory_space<vmem>>[vector<16xi32>, vector<16xi32>], vector<16xi32>,
      %get3A_91 = arith.constant 1 : i32
      %get3A_92 = arith.index_cast %get3A_91 : i32 to index
      %get3A_93 = arith.index_cast %add3A_86 : i32 to index
      %get3A_94 = tpu.vector_load %arg7[%get3A_92, %get3A_93] {strides = array<i32>} : memref<2x11264xi32, #tpu.memory_space<vmem>>, vector<16xi32>,
      tpu.vector_store_idx %arg6[%broadcast_in_dim3A_52, %get3A_94], %broadcast_in_dim3A_50 {add = true} : memref<1x10000xi32, #tpu.memory_space<vmem>>[vector<16xi32>, vector<16xi32>], vector<16xi32>,
      %add3A_95 = arith.constant 32 : i32
      %add3A_96 = arith.addi %add3A_75, %add3A_95 : i32
      %get3A_97 = arith.constant 0 : i32
      %get3A_98 = arith.index_cast %get3A_97 : i32 to index
      %get3A_99 = arith.index_cast %add3A_96 : i32 to index
      %get3A_100 = tpu.vector_load %arg7[%get3A_98, %get3A_99] {strides = array<i32>} : memref<2x11264xi32, #tpu.memory_space<vmem>>, vector<16xi32>,
      tpu.vector_store_idx %arg5[%broadcast_in_dim3A_52, %get3A_100], %broadcast_in_dim3A_50 {add = true} : memref<1x10000xi32, #tpu.memory_space<vmem>>[vector<16xi32>, vector<16xi32>], vector<16xi32>,
      %get3A_101 = arith.constant 1 : i32
      %get3A_102 = arith.index_cast %get3A_101 : i32 to index
      %get3A_103 = arith.index_cast %add3A_96 : i32 to index
      %get3A_104 = tpu.vector_load %arg7[%get3A_102, %get3A_103] {strides = array<i32>} : memref<2x11264xi32, #tpu.memory_space<vmem>>, vector<16xi32>,
      tpu.vector_store_idx %arg6[%broadcast_in_dim3A_52, %get3A_104], %broadcast_in_dim3A_50 {add = true} : memref<1x10000xi32, #tpu.memory_space<vmem>>[vector<16xi32>, vector<16xi32>], vector<16xi32>,
      %add3A_105 = arith.constant 48 : i32
      %add3A_106 = arith.addi %add3A_75, %add3A_105 : i32
      %get3A_107 = arith.constant 0 : i32
      %get3A_108 = arith.index_cast %get3A_107 : i32 to index
      %get3A_109 = arith.index_cast %add3A_106 : i32 to index
      %get3A_110 = tpu.vector_load %arg7[%get3A_108, %get3A_109] {strides = array<i32>} : memref<2x11264xi32, #tpu.memory_space<vmem>>, vector<16xi32>,
      tpu.vector_store_idx %arg5[%broadcast_in_dim3A_52, %get3A_110], %broadcast_in_dim3A_50 {add = true} : memref<1x10000xi32, #tpu.memory_space<vmem>>[vector<16xi32>, vector<16xi32>], vector<16xi32>,
      %get3A_111 = arith.constant 1 : i32
      %get3A_112 = arith.index_cast %get3A_111 : i32 to index
      %get3A_113 = arith.index_cast %add3A_106 : i32 to index
      %get3A_114 = tpu.vector_load %arg7[%get3A_112, %get3A_113] {strides = array<i32>} : memref<2x11264xi32, #tpu.memory_space<vmem>>, vector<16xi32>,
      tpu.vector_store_idx %arg6[%broadcast_in_dim3A_52, %get3A_114], %broadcast_in_dim3A_50 {add = true} : memref<1x10000xi32, #tpu.memory_space<vmem>>[vector<16xi32>, vector<16xi32>], vector<16xi32>,
    }
    "tpu.region"() ({
      %run_scoped3A = tpu.sem_alloc : memref<!tpu.dma_semaphore, #tpu.memory_space<semaphore_mem>>
      %dma_start3A = arith.constant 0 : i32
      %dma_start3A_70 = arith.constant 0 : i32
      %dma_start3A_71 = tpu.memref_slice %arg4[%add3A, %dma_start3A, %dma_start3A_70] : memref<64x1x10000xi32, #tpu.memory_space<hbm>> -> memref<1x1x10000xi32, #tpu.memory_space<hbm>>
      %dma_start3A_72 = tpu.memref_squeeze %dma_start3A_71 : memref<1x1x10000xi32, #tpu.memory_space<hbm>> -> memref<1x10000xi32, #tpu.memory_space<hbm>>
      %dma_start3A_73 = arith.constant 0 : i32
      %dma_start3A_74 = arith.constant 0 : i32
      %dma_start3A_75 = tpu.memref_slice %arg4[%add3A, %dma_start3A_73, %dma_start3A_74] : memref<64x1x10000xi32, #tpu.memory_space<hbm>> -> memref<1x1x10000xi32, #tpu.memory_space<hbm>>
      %dma_start3A_76 = tpu.memref_squeeze %dma_start3A_75 : memref<1x1x10000xi32, #tpu.memory_space<hbm>> -> memref<1x10000xi32, #tpu.memory_space<hbm>>
      tpu.enqueue_dma source(%arg5 : memref<1x10000xi32, #tpu.memory_space<vmem>>) target(%dma_start3A_76 : memref<1x10000xi32, #tpu.memory_space<hbm>>) target_semaphore(%run_scoped3A : memref<!tpu.dma_semaphore, #tpu.memory_space<semaphore_mem>>)
      %dma_wait3A = arith.constant 0 : i32
      %dma_wait3A_77 = arith.constant 0 : i32
      %dma_wait3A_78 = tpu.memref_slice %arg4[%add3A, %dma_wait3A, %dma_wait3A_77] : memref<64x1x10000xi32, #tpu.memory_space<hbm>> -> memref<1x1x10000xi32, #tpu.memory_space<hbm>>
      %dma_wait3A_79 = tpu.memref_squeeze %dma_wait3A_78 : memref<1x1x10000xi32, #tpu.memory_space<hbm>> -> memref<1x10000xi32, #tpu.memory_space<hbm>>
      %dma_wait3A_80 = arith.constant 0 : i32
      %dma_wait3A_81 = arith.constant 0 : i32
      %dma_wait3A_82 = tpu.memref_slice %arg4[%add3A, %dma_wait3A_80, %dma_wait3A_81] : memref<64x1x10000xi32, #tpu.memory_space<hbm>> -> memref<1x1x10000xi32, #tpu.memory_space<hbm>>
      %dma_wait3A_83 = tpu.memref_squeeze %dma_wait3A_82 : memref<1x1x10000xi32, #tpu.memory_space<hbm>> -> memref<1x10000xi32, #tpu.memory_space<hbm>>
      tpu.wait_dma2 semaphore(%run_scoped3A : memref<!tpu.dma_semaphore, #tpu.memory_space<semaphore_mem>>) src(%arg5 : memref<1x10000xi32, #tpu.memory_space<vmem>>) dst(%dma_wait3A_83 : memref<1x10000xi32, #tpu.memory_space<hbm>>)
      tpu.yield
    }) : () -> ()
    %add3A_68 = arith.constant 32 : i32
    %add3A_69 = arith.addi %add3A_68, %add3A : i32
    "tpu.region"() ({
      %run_scoped3A = tpu.sem_alloc : memref<!tpu.dma_semaphore, #tpu.memory_space<semaphore_mem>>
      %dma_start3A = arith.constant 0 : i32
      %dma_start3A_70 = arith.constant 0 : i32
      %dma_start3A_71 = tpu.memref_slice %arg4[%add3A_69, %dma_start3A, %dma_start3A_70] : memref<64x1x10000xi32, #tpu.memory_space<hbm>> -> memref<1x1x10000xi32, #tpu.memory_space<hbm>>
      %dma_start3A_72 = tpu.memref_squeeze %dma_start3A_71 : memref<1x1x10000xi32, #tpu.memory_space<hbm>> -> memref<1x10000xi32, #tpu.memory_space<hbm>>
      %dma_start3A_73 = arith.constant 0 : i32
      %dma_start3A_74 = arith.constant 0 : i32
      %dma_start3A_75 = tpu.memref_slice %arg4[%add3A_69, %dma_start3A_73, %dma_start3A_74] : memref<64x1x10000xi32, #tpu.memory_space<hbm>> -> memref<1x1x10000xi32, #tpu.memory_space<hbm>>
      %dma_start3A_76 = tpu.memref_squeeze %dma_start3A_75 : memref<1x1x10000xi32, #tpu.memory_space<hbm>> -> memref<1x10000xi32, #tpu.memory_space<hbm>>
      tpu.enqueue_dma source(%arg6 : memref<1x10000xi32, #tpu.memory_space<vmem>>) target(%dma_start3A_76 : memref<1x10000xi32, #tpu.memory_space<hbm>>) target_semaphore(%run_scoped3A : memref<!tpu.dma_semaphore, #tpu.memory_space<semaphore_mem>>)
      %dma_wait3A = arith.constant 0 : i32
      %dma_wait3A_77 = arith.constant 0 : i32
      %dma_wait3A_78 = tpu.memref_slice %arg4[%add3A_69, %dma_wait3A, %dma_wait3A_77] : memref<64x1x10000xi32, #tpu.memory_space<hbm>> -> memref<1x1x10000xi32, #tpu.memory_space<hbm>>
      %dma_wait3A_79 = tpu.memref_squeeze %dma_wait3A_78 : memref<1x1x10000xi32, #tpu.memory_space<hbm>> -> memref<1x10000xi32, #tpu.memory_space<hbm>>
      %dma_wait3A_80 = arith.constant 0 : i32
      %dma_wait3A_81 = arith.constant 0 : i32
      %dma_wait3A_82 = tpu.memref_slice %arg4[%add3A_69, %dma_wait3A_80, %dma_wait3A_81] : memref<64x1x10000xi32, #tpu.memory_space<hbm>> -> memref<1x1x10000xi32, #tpu.memory_space<hbm>>
      %dma_wait3A_83 = tpu.memref_squeeze %dma_wait3A_82 : memref<1x1x10000xi32, #tpu.memory_space<hbm>> -> memref<1x10000xi32, #tpu.memory_space<hbm>>
      tpu.wait_dma2 semaphore(%run_scoped3A : memref<!tpu.dma_semaphore, #tpu.memory_space<semaphore_mem>>) src(%arg6 : memref<1x10000xi32, #tpu.memory_space<vmem>>) dst(%dma_wait3A_83 : memref<1x10000xi32, #tpu.memory_space<hbm>>)
      tpu.yield
    }) : () -> ()
    return
  }
}

module attributes {stable_mosaic.version = 14 : i64} {
  func.func @_feat_body(%arg0: memref<64x1x10000xi32, #tpu.memory_space<vmem>>, %arg1: memref<10000x128xf32, #tpu.memory_space<vmem>>, %arg2: memref<10000x128xf32, #tpu.memory_space<vmem>>, %arg3: memref<1x10000xf32, #tpu.memory_space<vmem>>) attributes {dimension_semantics = [], scalar_prefetch = 0 : i64, scratch_operands = 0 : i64, tpu.core_type = #tpu.core_type<tc>} {
    %get3A = arith.constant 0 : index
    %get3A_0 = arith.constant 0 : index
    %get3A_1 = arith.constant 0 : index
    %get3A_2 = vector.load %arg0[%get3A, %get3A_0, %get3A_1] : memref<64x1x10000xi32, #tpu.memory_space<vmem>>, vector<32x1x10000xi32>
    %get3A_3 = vector.shape_cast %get3A_2 : vector<32x1x10000xi32> to vector<32x10000xi32>
    %reduce_sum3A = arith.constant dense<0> : vector<10000xi32>
    %reduce_sum3A_4 = vector.multi_reduction <add>, %get3A_3, %reduce_sum3A [0] : vector<32x10000xi32> to vector<10000xi32>
    %max3A = arith.constant 1 : i32
    %max3A_5 = vector.broadcast %max3A : i32 to vector<10000xi32>
    %max3A_6 = arith.maxsi %reduce_sum3A_4, %max3A_5 : vector<10000xi32>
    %convert_element_type3A = arith.sitofp %max3A_6 : vector<10000xi32> to vector<10000xf32>
    %rsqrt3A = math.rsqrt %convert_element_type3A : vector<10000xf32>
    %get3A_7 = arith.constant 0 : index
    %get3A_8 = arith.constant 0 : index
    %get3A_9 = vector.load %arg1[%get3A_7, %get3A_8] : memref<10000x128xf32, #tpu.memory_space<vmem>>, vector<10000x128xf32>
    %broadcast_in_dim3A = vector.shape_cast %rsqrt3A : vector<10000xf32> to vector<10000x1xf32>
    %mul3A = vector.broadcast %broadcast_in_dim3A : vector<10000x1xf32> to vector<10000x128xf32>
    %mul3A_10 = arith.mulf %get3A_9, %mul3A : vector<10000x128xf32>
    %swap3A = arith.constant 0 : index
    %swap3A_11 = arith.constant 0 : index
    %swap3A_12 = vector.load %arg2[%swap3A, %swap3A_11] : memref<10000x128xf32, #tpu.memory_space<vmem>>, vector<10000x128xf32>
    tpu.vector_store %arg2[%swap3A, %swap3A_11], %mul3A_10 {strides = array<i32>} : memref<10000x128xf32, #tpu.memory_space<vmem>>, vector<10000x128xf32>,
    %get3A_13 = arith.constant 32 : index
    %get3A_14 = arith.constant 0 : index
    %get3A_15 = arith.constant 0 : index
    %get3A_16 = vector.load %arg0[%get3A_13, %get3A_14, %get3A_15] : memref<64x1x10000xi32, #tpu.memory_space<vmem>>, vector<32x1x10000xi32>
    %get3A_17 = vector.shape_cast %get3A_16 : vector<32x1x10000xi32> to vector<32x10000xi32>
    %reduce_sum3A_18 = arith.constant dense<0> : vector<10000xi32>
    %reduce_sum3A_19 = vector.multi_reduction <add>, %get3A_17, %reduce_sum3A_18 [0] : vector<32x10000xi32> to vector<10000xi32>
    %max3A_20 = arith.constant 1 : i32
    %max3A_21 = vector.broadcast %max3A_20 : i32 to vector<10000xi32>
    %max3A_22 = arith.maxsi %reduce_sum3A_19, %max3A_21 : vector<10000xi32>
    %convert_element_type3A_23 = arith.sitofp %max3A_22 : vector<10000xi32> to vector<10000xf32>
    %rsqrt3A_24 = math.rsqrt %convert_element_type3A_23 : vector<10000xf32>
    %broadcast_in_dim3A_25 = vector.shape_cast %rsqrt3A_24 : vector<10000xf32> to vector<1x10000xf32>
    %swap3A_26 = arith.constant 0 : index
    %swap3A_27 = arith.constant 0 : index
    %swap3A_28 = vector.load %arg3[%swap3A_26, %swap3A_27] : memref<1x10000xf32, #tpu.memory_space<vmem>>, vector<1x10000xf32>
    tpu.vector_store %arg3[%swap3A_26, %swap3A_27], %broadcast_in_dim3A_25 {strides = array<i32>} : memref<1x10000xf32, #tpu.memory_space<vmem>>, vector<1x10000xf32>,
    return
  }
}

module attributes {stable_mosaic.version = 14 : i64} {
  func.func @_dense_body(%arg0: memref<20000x128xf32, #tpu.memory_space<vmem>>, %arg1: memref<1x10000xf32, #tpu.memory_space<vmem>>, %arg2: memref<10000x128xf32, #tpu.memory_space<vmem>>, %arg3: memref<128x128xf32, #tpu.memory_space<vmem>>, %arg4: memref<1x128xf32, #tpu.memory_space<vmem>>, %arg5: memref<384x128xf32, #tpu.memory_space<vmem>>, %arg6: memref<384x128xf32, #tpu.memory_space<vmem>>, %arg7: memref<1x384xf32, #tpu.memory_space<vmem>>, %arg8: memref<1x384xf32, #tpu.memory_space<vmem>>, %arg9: memref<10000x128xf32, #tpu.memory_space<vmem>>) attributes {dimension_semantics = [], scalar_prefetch = 0 : i64, scratch_operands = 0 : i64, tpu.core_type = #tpu.core_type<tc>} {
    %get3A = arith.constant 0 : index
    %get3A_0 = arith.constant 0 : index
    %get3A_1 = vector.load %arg1[%get3A, %get3A_0] : memref<1x10000xf32, #tpu.memory_space<vmem>>, vector<1x10000xf32>
    %get3A_2 = vector.shape_cast %get3A_1 : vector<1x10000xf32> to vector<10000xf32>
    %get3A_3 = arith.constant 0 : index
    %get3A_4 = arith.constant 0 : index
    %get3A_5 = vector.load %arg0[%get3A_3, %get3A_4] : memref<20000x128xf32, #tpu.memory_space<vmem>>, vector<10000x128xf32>
    %get3A_6 = arith.constant 10000 : index
    %get3A_7 = arith.constant 0 : index
    %get3A_8 = vector.load %arg0[%get3A_6, %get3A_7] : memref<20000x128xf32, #tpu.memory_space<vmem>>, vector<10000x128xf32>
    %add3A = arith.addf %get3A_5, %get3A_8 : vector<10000x128xf32>
    %broadcast_in_dim3A = vector.shape_cast %get3A_2 : vector<10000xf32> to vector<10000x1xf32>
    %mul3A = vector.broadcast %broadcast_in_dim3A : vector<10000x1xf32> to vector<10000x128xf32>
    %mul3A_9 = arith.mulf %add3A, %mul3A : vector<10000x128xf32>
    %get3A_10 = arith.constant 0 : index
    %get3A_11 = arith.constant 0 : index
    %get3A_12 = vector.load %arg3[%get3A_10, %get3A_11] : memref<128x128xf32, #tpu.memory_space<vmem>>, vector<128x128xf32>
    %dot_general3A = arith.constant dense<0.000000e+00> : vector<10000x128xf32>
    %dot_general3A_13 = tpu.matmul %mul3A_9, %get3A_12, %dot_general3A {dimension_numbers = #tpu.dot_dimension_numbers<[1], [0], [0], [1], [0, 0, 1, 1], [], []>, transpose_lhs_hint = false} : vector<10000x128xf32>, vector<128x128xf32>, vector<10000x128xf32> -> vector<10000x128xf32>
    %get3A_14 = arith.constant 0 : index
    %get3A_15 = arith.constant 0 : index
    %get3A_16 = vector.load %arg4[%get3A_14, %get3A_15] : memref<1x128xf32, #tpu.memory_space<vmem>>, vector<1x128xf32>
    %add3A_17 = vector.broadcast %get3A_16 : vector<1x128xf32> to vector<10000x128xf32>
    %add3A_18 = arith.addf %dot_general3A_13, %add3A_17 : vector<10000x128xf32>
    %get3A_19 = arith.constant 0 : index
    %get3A_20 = arith.constant 0 : index
    %get3A_21 = vector.load %arg2[%get3A_19, %get3A_20] : memref<10000x128xf32, #tpu.memory_space<vmem>>, vector<10000x128xf32>
    %get3A_22 = arith.constant 0 : index
    %get3A_23 = arith.constant 0 : index
    %get3A_24 = vector.load %arg5[%get3A_22, %get3A_23] : memref<384x128xf32, #tpu.memory_space<vmem>>, vector<384x128xf32>
    %dot_general3A_25 = arith.constant dense<0.000000e+00> : vector<10000x384xf32>
    %dot_general3A_26 = tpu.matmul %add3A_18, %get3A_24, %dot_general3A_25 {dimension_numbers = #tpu.dot_dimension_numbers<[1], [1], [0], [0], [0, 0, 1, 0], [], []>, transpose_lhs_hint = false} : vector<10000x128xf32>, vector<384x128xf32>, vector<10000x384xf32> -> vector<10000x384xf32>
    %get3A_27 = arith.constant 0 : index
    %get3A_28 = arith.constant 0 : index
    %get3A_29 = vector.load %arg7[%get3A_27, %get3A_28] : memref<1x384xf32, #tpu.memory_space<vmem>>, vector<1x384xf32>
    %add3A_30 = vector.broadcast %get3A_29 : vector<1x384xf32> to vector<10000x384xf32>
    %add3A_31 = arith.addf %dot_general3A_26, %add3A_30 : vector<10000x384xf32>
    %get3A_32 = arith.constant 0 : index
    %get3A_33 = arith.constant 0 : index
    %get3A_34 = vector.load %arg6[%get3A_32, %get3A_33] : memref<384x128xf32, #tpu.memory_space<vmem>>, vector<384x128xf32>
    %dot_general3A_35 = arith.constant dense<0.000000e+00> : vector<10000x384xf32>
    %dot_general3A_36 = tpu.matmul %get3A_21, %get3A_34, %dot_general3A_35 {dimension_numbers = #tpu.dot_dimension_numbers<[1], [1], [0], [0], [0, 0, 1, 0], [], []>, transpose_lhs_hint = false} : vector<10000x128xf32>, vector<384x128xf32>, vector<10000x384xf32> -> vector<10000x384xf32>
    %get3A_37 = arith.constant 0 : index
    %get3A_38 = arith.constant 0 : index
    %get3A_39 = vector.load %arg8[%get3A_37, %get3A_38] : memref<1x384xf32, #tpu.memory_space<vmem>>, vector<1x384xf32>
    %add3A_40 = vector.broadcast %get3A_39 : vector<1x384xf32> to vector<10000x384xf32>
    %add3A_41 = arith.addf %dot_general3A_36, %add3A_40 : vector<10000x384xf32>
    %slice3A = vector.extract_strided_slice %add3A_31 {offsets = [0, 0], sizes = [10000, 128], strides = [1, 1]} : vector<10000x384xf32> to vector<10000x128xf32>
    %slice3A_42 = vector.extract_strided_slice %add3A_41 {offsets = [0, 0], sizes = [10000, 128], strides = [1, 1]} : vector<10000x384xf32> to vector<10000x128xf32>
    %add3A_43 = arith.addf %slice3A, %slice3A_42 : vector<10000x128xf32>
    %logistic3A = arith.negf %add3A_43 : vector<10000x128xf32>
    %logistic3A_44 = math.exp %logistic3A : vector<10000x128xf32>
    %logistic3A_45 = arith.constant 1.000000e+00 : f32
    %logistic3A_46 = vector.broadcast %logistic3A_45 : f32 to vector<10000x128xf32>
    %logistic3A_47 = arith.addf %logistic3A_46, %logistic3A_44 : vector<10000x128xf32>
    %logistic3A_48 = arith.divf %logistic3A_46, %logistic3A_47 : vector<10000x128xf32>
    %slice3A_49 = vector.extract_strided_slice %add3A_31 {offsets = [0, 128], sizes = [10000, 128], strides = [1, 1]} : vector<10000x384xf32> to vector<10000x128xf32>
    %slice3A_50 = vector.extract_strided_slice %add3A_41 {offsets = [0, 128], sizes = [10000, 128], strides = [1, 1]} : vector<10000x384xf32> to vector<10000x128xf32>
    %add3A_51 = arith.addf %slice3A_49, %slice3A_50 : vector<10000x128xf32>
    %logistic3A_52 = arith.negf %add3A_51 : vector<10000x128xf32>
    %logistic3A_53 = math.exp %logistic3A_52 : vector<10000x128xf32>
    %logistic3A_54 = arith.constant 1.000000e+00 : f32
    %logistic3A_55 = vector.broadcast %logistic3A_54 : f32 to vector<10000x128xf32>
    %logistic3A_56 = arith.addf %logistic3A_55, %logistic3A_53 : vector<10000x128xf32>
    %logistic3A_57 = arith.divf %logistic3A_55, %logistic3A_56 : vector<10000x128xf32>
    %slice3A_58 = vector.extract_strided_slice %add3A_31 {offsets = [0, 256], sizes = [10000, 128], strides = [1, 1]} : vector<10000x384xf32> to vector<10000x128xf32>
    %slice3A_59 = vector.extract_strided_slice %add3A_41 {offsets = [0, 256], sizes = [10000, 128], strides = [1, 1]} : vector<10000x384xf32> to vector<10000x128xf32>
    %mul3A_60 = arith.mulf %logistic3A_48, %slice3A_59 : vector<10000x128xf32>
    %add3A_61 = arith.addf %slice3A_58, %mul3A_60 : vector<10000x128xf32>
    %tanh3A = math.tanh %add3A_61 : vector<10000x128xf32>
    %sub3A = arith.constant 1.000000e+00 : f32
    %sub3A_62 = vector.broadcast %sub3A : f32 to vector<10000x128xf32>
    %sub3A_63 = arith.subf %sub3A_62, %logistic3A_57 : vector<10000x128xf32>
    %mul3A_64 = arith.mulf %sub3A_63, %tanh3A : vector<10000x128xf32>
    %mul3A_65 = arith.mulf %logistic3A_57, %get3A_21 : vector<10000x128xf32>
    %add3A_66 = arith.addf %mul3A_64, %mul3A_65 : vector<10000x128xf32>
    %gt3A = arith.constant 0.000000e+00 : f32
    %gt3A_67 = vector.broadcast %gt3A : f32 to vector<10000x128xf32>
    %gt3A_68 = arith.cmpf ogt, %add3A_66, %gt3A_67 : vector<10000x128xf32>
    %exp3A = math.exp %add3A_66 : vector<10000x128xf32>
    %sub3A_69 = arith.constant 1.000000e+00 : f32
    %sub3A_70 = vector.broadcast %sub3A_69 : f32 to vector<10000x128xf32>
    %sub3A_71 = arith.subf %exp3A, %sub3A_70 : vector<10000x128xf32>
    %select_n3A = arith.select %gt3A_68, %add3A_66, %sub3A_71 : vector<10000x128xi1>, vector<10000x128xf32>
    %swap3A = arith.constant 0 : index
    %swap3A_72 = arith.constant 0 : index
    %swap3A_73 = vector.load %arg9[%swap3A, %swap3A_72] : memref<10000x128xf32, #tpu.memory_space<vmem>>, vector<10000x128xf32>
    tpu.vector_store %arg9[%swap3A, %swap3A_72], %select_n3A {strides = array<i32>} : memref<10000x128xf32, #tpu.memory_space<vmem>>, vector<10000x128xf32>,
    return
  }
}

</mosaic_0001>

<sc_bundles>
// kernel: kernel.6.cloned.1.call-start
scs
__scs_entry_jumppad:
0x0: {  	(pc) =	sbr.rel $0x88, $3  }
0x1: {  	(tag) =	ssettag $0x0;
	lr =	simm.s32 $0x1  }
0x2: {  	[smem:$0x3F99] =	sst lr;
	_ =	strace $0xD0000000  }
0x3: {  	_ = 	snop  }
0x4: {  	_ = 	snop  }
0x5: {  	_ = 	snop  }
0x6: {  	_ = 	snop  }
0x7: {  	_ = 	snop  }
__scs_overlays_trampoline_lowered:
0x8: {  	[smem:$0x3FA8] =	sst s0  }
0x9: {  	[smem:$0x3FA9] =	sst s1  }
0xa: {  	[smem:$0x3FAA] =	sst s2  }
0xb: {  	[smem:$0x3FAB] =	sst s3  }
0xc: {  	[smem:$0x3FAC] =	sst s4  }
0xd: {  	[smem:$0x3FAD] =	sst s5  }
0xe: {  	[smem:$0x3FAE] =	sst s6  }
0xf: {  	[smem:$0x3FAF] =	sst s7  }
0x10: {  	[smem:$0x3FB0] =	sst s8  }
0x11: {  	[smem:$0x3FB1] =	sst s9;
	s0 =	simm.s32 @!p0 $0x0  }
0x12: {  	s1 =	sld [smem:$0x3F97];
	s0 =	simm.s32 @p0 $0x1  }
0x13: {  	[smem:$0x3FB2] =	sst s0;
	s0 =	simm.s32 @!p1 $0x0  }
0x14: {  	s2 =	sld [smem:$0x3F96];
	s0 =	simm.s32 @p1 $0x1  }
0x15: {  	[smem:$0x3FB3] =	sst s0;
	s0 =	simm.s32 @!p2 $0x0  }
0x16: {  	s3 =	sld [smem:$0x3FDB];
	s0 =	simm.s32 @p2 $0x1  }
0x17: {  	s4 =	simm.s32 $0x1BF5;
	[smem:$0x3FB5] =	sst s0  }
0x18: {  	s0 =	sld [smem:$0x3F98];
	_ =	swait.ge [sflag:s4], $0x0  }
0x19: {  	s7 =	sld [smem:$0x3F99]  }
0x1a: {  	s8 =	sadd.s32 $0xFFFFE003, lr  }
0x1b: {  	s9 =	sadd.s32 $0xFFFFFEF7, lr;
	s5 =	simm.s32 $0xFFFFFFFF;
	p2 =	slt.u32 s8, $0xFFFFF086  }
0x1c: {  	p1 =	slt.u32 s9, $0xF7A;
	s5 =	simm.s32 @!p2 $0x0  }
0x1d: {  	s5 =	simm.s32 @p1 $0x1;
	p0 =	seq.s32 s7, s2  }
0x1e: {  	s7 =	smul.u32 @!p0 $0xF7A, s2;
	p2 =	seq.s32 @!p0 s5, $0x0  }
0x1f: {  	s9 =	smul.u32 $0xF7A, s1;
	s8 =	simm.s32 @!p0 $0x1BF5;
	p2 =	por !p2, p0  }
0x20: {  	[sflag:s8] =	ssyncset.s32 @!p0 $0xFFFFF086;
	s6 =	sadd.s32 @!p0 s3, s7;
	s7 =	simm.s32 @!p0 $0x108  }
0x21: {  	s3 =	sadd.s32 s3, s9;
	s6 =	sadd.s32 @!p0 $0x88, s6;
	s7 =	simm.s32 @p2 $0x1082  }
0x22: {  	[simem:s7], [sflag:s8] =	dma.local @!p0 [hbm:s6], $0xF7A  }
0x23: {  	s9 =	sor.u32 $0xD0000000, s2;
	s6 =	simm.s32 $0x108;
	_ =	swait.ge @!p0 [sflag:s8], $0x0  }
0x24: {  	s3 =	sadd.s32 $0x88, s3;
	s6 =	simm.s32 @!p1 $0x1082;
	[sflag:s4] =	ssyncset.s32 $0xFFFFF086  }
0x25: {  	[simem:s6], [sflag:s4] =	dma.local [hbm:s3], $0xF7A  }
0x26: {  	[smem:$0x3F99] =	sst s1;
	(tag) =	ssettag s2;
	_ =	strace s9  }
0x27: {  	s1 =	sld [smem:$0x3FA9]  }
0x28: {  	s2 =	sld [smem:$0x3FAA]  }
0x29: {  	s4 =	sld [smem:$0x3FAC]  }
0x2a: {  	p0 =	seq.s32 s5, $0x0;
	s5 =	sld [smem:$0x3FAD]  }
0x2b: {  	s6 =	sld [smem:$0x3FAE]  }
0x2c: {  	s7 =	sld [smem:$0x3FAF]  }
0x2d: {  	s3 =	simm.s32 $0x108;
	s8 =	sld [smem:$0x3FB0]  }
0x2e: {  	s3 =	simm.s32 @!p0 $0x1082;
	s9 =	sld [smem:$0x3FB1]  }
0x2f: {  	lr =	sadd.s32 s0, s3;
	s0 =	sld [smem:$0x3FA8]  }
0x30: {  	s3 =	sld [smem:$0x3FAB]  }
0x31: {  	[smem:$0x3FB4] =	sst s10  }
0x32: {  	s10 =	sld [smem:$0x3FB2];
	_ =	sdelay $0x3  }
0x33: {  	p0 =	seq.s32 s10, $0x1;
	s10 =	sld [smem:$0x3FB4];
	_ =	sdelay $0x3  }
0x34: {  	[smem:$0x3FB4] =	sst s10  }
0x35: {  	s10 =	sld [smem:$0x3FB3];
	_ =	sdelay $0x3  }
0x36: {  	p1 =	seq.s32 s10, $0x1;
	s10 =	sld [smem:$0x3FB4];
	_ =	sdelay $0x3  }
0x37: {  	[smem:$0x3FB4] =	sst s10  }
0x38: {  	s10 =	sld [smem:$0x3FB5]  }
0x39: {  	_ = 	snop;
	(pc) =	sbr.ind lr, $3  }
0x3a: {  	_ = 	snop  }
0x3b: {  	_ = 	snop  }
0x3c: {  	p2 =	seq.s32 s10, $0x1;
	s10 =	sld [smem:$0x3FB4]  }
0x3d: {  	_ =	shalt  }
0x3e: {  	_ =	shalt  }
0x3f: {  	_ =	shalt  }
0x40: {  	_ =	shalt  }
0x41: {  	_ =	shalt  }
0x42: {  	_ =	shalt  }
0x43: {  	_ =	shalt  }
0x44: {  	_ =	shalt  }
0x45: {  	_ =	shalt  }
0x46: {  	_ =	shalt  }
0x47: {  	_ =	shalt  }
0x48: {  	_ =	shalt  }
0x49: {  	_ =	shalt  }
0x4a: {  	_ =	shalt  }
0x4b: {  	_ =	shalt  }
0x4c: {  	_ =	shalt  }
0x4d: {  	_ =	shalt  }
0x4e: {  	_ =	shalt  }
0x4f: {  	_ =	shalt  }
0x50: {  	_ =	shalt  }
0x51: {  	_ =	shalt  }
0x52: {  	_ =	shalt  }
0x53: {  	_ =	shalt  }
0x54: {  	_ =	shalt  }
0x55: {  	_ =	shalt  }
0x56: {  	_ =	shalt  }
0x57: {  	_ =	shalt  }
0x58: {  	_ =	shalt  }
0x59: {  	_ =	shalt  }
0x5a: {  	_ =	shalt  }
0x5b: {  	_ =	shalt  }
0x5c: {  	_ =	shalt  }
0x5d: {  	_ =	shalt  }
0x5e: {  	_ =	shalt  }
0x5f: {  	_ =	shalt  }
0x60: {  	_ =	shalt  }
0x61: {  	_ =	shalt  }
0x62: {  	_ =	shalt  }
0x63: {  	_ =	shalt  }
0x64: {  	_ =	shalt  }
0x65: {  	_ =	shalt  }
0x66: {  	_ =	shalt  }
0x67: {  	_ =	shalt  }
0x68: {  	_ =	shalt  }
0x69: {  	_ =	shalt  }
0x6a: {  	_ =	shalt  }
0x6b: {  	_ =	shalt  }
0x6c: {  	_ =	shalt  }
0x6d: {  	_ =	shalt  }
0x6e: {  	_ =	shalt  }
0x6f: {  	_ =	shalt  }
0x70: {  	_ =	shalt  }
0x71: {  	_ =	shalt  }
0x72: {  	_ =	shalt  }
0x73: {  	_ =	shalt  }
0x74: {  	_ =	shalt  }
0x75: {  	_ =	shalt  }
0x76: {  	_ =	shalt  }
0x77: {  	_ =	shalt  }
0x78: {  	_ =	shalt  }
0x79: {  	_ =	shalt  }
0x7a: {  	_ =	shalt  }
0x7b: {  	_ =	shalt  }
0x7c: {  	_ =	shalt  }
0x7d: {  	_ =	shalt  }
0x7e: {  	_ =	shalt  }
0x7f: {  	_ =	shalt  }
0x80: {  	_ =	shalt  }
0x81: {  	_ =	shalt  }
0x82: {  	_ =	shalt  }
0x83: {  	_ =	shalt  }
0x84: {  	_ =	shalt  }
0x85: {  	_ =	shalt  }
0x86: {  	_ =	shalt  }
0x87: {  	_ =	shalt  }
.Lfunc_end0:
.L_simem_size_0:
called_computation_lowered:
.L_overlay_start_0:
0x88: {  	s2 =	sld [smem:$0x3FD9]  }
0x89: {  	s3 =	sld [smem:$0x3FFE];
	_ =	sdelay $0x1  }
0x8a: {  	s1 =	srdreg.scid  }
0x8b: {  	s0 =	sand.u32 $0x1, s1  }
0x8c: {  	s17 =	sshll.u32 s0, $0xA;
	s2 =	sadd.s32 s3, s2  }
0x8d: {  	s2 =	sadd.s32 s2, s17  }
0x8e: {  	[smem:$0x3FC0] =	sst s2  }
0x8f: {  	_ = 	snop  }
0x90: {  	s2 =	sld [smem:$0x3FC8]  }
0x91: {  	s18 =	sld [smem:$0x3FD0];
	(tm) =	ssettm $0x1  }
0x92: {  	s4 =	sld [smem:$0x3FFB];
	_ =	sdelay $0x3  }
0x93: {  	_ =	strace s4  }
0x94: {  	s4 =	sld [smem:$0x3FFC];
	_ =	sdelay $0x3  }
0x95: {  	_ =	strace s4  }
0x96: {  	s4 =	sld [smem:$0x3FFD];
	_ =	sdelay $0x3  }
0x97: {  	_ =	strace s4  }
0x98: {  	_ =	strace $0x8FFFFFFF  }
0x99: {  	s19 =	sld [smem:$0x3FDB];
	_ =	sdelay $0x1  }
0x9a: {  	s5 =	simm.s32 $_scs_section_size  }
0x9b: {  	s6 =	simm.s32 $_size__tile_overlayer_lowered;
	s7 =	simm.s32 $_tile_overlayer_lowered  }
0x9c: {  	s22 =	simm.s32 $0x1BFF;
	s21 =	sshll.u32 s7, $0x1;
	s4 =	sadd.s32 s5, s19  }
0x9d: {  	s8 =	simm.s32 $0x0;
	s20 =	sshll.u32 s6, $0x1;
	s6 =	sadd.s32 s21, s4  }
0x9e: {  	[timem:s8], [sflag:s22] =	dma.local [hbm:s6], s20  }
0x9f: {  	_ =	swait.ge [sflag:s22], s20  }
0xa0: {  	s5 =	ssub.s32 $0x0, s20;
	[sflag:s22] =	ssyncset.done $0x0  }
0xa1: {  	[sflag:s22] =	ssyncadd.s32 s5;
	_ =	sdelay $0x1  }
0xa2: {  	s23 =	simm.s32 $0x1B8B  }
0xa3: {  	_ =	swait.ge [sflag:s23], $0x1  }
0xa4: {  	[sflag:s23] =	ssyncset.done $0x0  }
0xa5: {  	s25 =	simm.s32 $0x1B8E;
	s24 =	sld [smem:$0x3FFE];
	[sflag:s23] =	ssyncadd.s32 $0xFFFFFFFF  }
0xa6: {  	s26 =	simm.s32 $execute0_lowered;
	[smem:$0x3FD2] =	sst s25  }
0xa7: {  	s6 =	sshll.u32 s26, $0x1;
	_ =	strace $0x80000046;
	[dreg:$0x1] =	wrdreg $0xFFFFFFFF  }
0xa8: {  	s28 =	simm.s32 $_size_execute0_lowered;
	s4 =	sadd.s32 s4, s6;
	[dreg:$0x0] =	wrdreg $0x0  }
0xa9: {  	s6 =	sshll.u32 s28, $0x1;
	[dreg:$0x2] =	wrdreg s4  }
0xaa: {  	[dreg:$0x3] =	wrdreg s6  }
0xab: {  	[dreg:$0x4] =	wrdreg $0xC0  }
0xac: {  	_ =	task [dreg:s8], $0x5FFFF  }
0xad: {  	[dreg:$0x1] =	wrdreg $0xFFFFFFFF  }
0xae: {  	[dreg:$0x0] =	wrdreg $0x60  }
0xaf: {  	[dreg:$0x2] =	wrdreg s2  }
0xb0: {  	[dreg:$0x3] =	wrdreg s24  }
0xb1: {  	[dreg:$0x4] =	wrdreg s18  }
0xb2: {  	[dreg:$0x5] =	wrdreg $0x9  }
0xb3: {  	_ =	task.clear_ibuf [dreg:s8], $0x6FFFF;
	_ =	strace $0x90000046  }
0xb4: {  	s29 =	simm.s32 $0x9;
	_ =	strace $0x80000048  }
0xb5: {  	_ =	swait.ge [sflag:s29], $0x1  }
0xb6: {  	[sflag:s29] =	ssyncadd.s32 $0xFFFFFFFF  }
0xb7: {  	_ =	strace $0x90000048  }
0xb8: {  	_ =	sfence  }
0xb9: {  	s30 =	sld [smem:$0x0];
	_ =	sdelay $0x2  }
0xba: {  	s31 =	sshll.u32 s1, $0xD;
	s1 =	sshrl.u32 s1, $0x2  }
0xbb: {  	s3 =	sand.u32 $0x4000, s31;
	s1 =	sadd.s32 s1, s30  }
0xbc: {  	s0 =	sor.u32 s3, s0;
	s1 =	sshll.u32 s1, $0x11  }
0xbd: {  	s0 =	sor.u32 s1, s0  }
0xbe: {  	s0 =	sadd.s32 $0x8F2B, s0  }
0xbf: {  	[sflag:s0] =	ssyncadd.remote.s32 $0x1  }
0xc0: {  	_ =	sfence.sel $0xFFFF  }
0xc1: {  	[dreg:$0x0] =	wrdreg $0xFFFFFFFF;
	(pc) =	sbr.abs _section_cstart, $3  }
0xc2: {  	[dreg:$0x1] =	wrdreg $0xFFFFFFFF  }
0xc3: {  	_ =	task.clear_ibuf [dreg:s8], $0x2FFFF;
	_ =	strace $0x9FFFFFFF  }
0xc4: {  	(tm) =	ssettm $0x7FFFFFFF  }
0xc5: {  	_ =	shalt  }
tec
execute0_lowered:
.L_overlay_start_1:
0x0: {  	(tag) =	ssettag $0x1  }
0x1: {  	s4 =	rddreg [dreg:$0x0]  }
0x2: {  	s3 =	rddreg [dreg:$0x1]  }
0x3: {  	s6 =	rddreg [dreg:$0x2]  }
0x4: {  	s0 =	rddreg [dreg:$0x3]  }
0x5: {  	s5 =	srdreg.scid;
	s1 =	stileid.u32;
	s2 =	simm.s32 $0x0  }
0x6: {  	s5 =	sand.u32 $0x1, s5;
	s7 =	sshll.u32 s1, $0x1;
	s11 =	smul.u32 $0x1388, s1  }
0x7: {  	s7 =	sor.u32 s5, s7;
	s8 =	ssub.s32 $0x2, s5;
	s5 =	smul.u32 $0x9C4, s5  }
0x8: {  	[smem:$0x7FF] =	sst s2;
	s9 =	smul.u32 $0x9C4, s7  }
0x9: {  	s3 =	sadd.s32 $0x1E00, s3;
	s10 =	sshrl.u32 s8, $0x1;
	s25 =	smul.u32 $0x4F0, s7  }
0xa: {  	_ =	strace $0x80000047;
	s7 =	smul.u32 $0x2780, s7;
	s8 =	ssub.s32 s8, s10  }
0xb: {  	s11 =	sadd.s32 s5, s11;
	s12 =	sshrl.u32 s9, $0x5;
	s9 =	sadd.s32 $0x9C4, s9  }
0xc: {  	s26 =	sadd.s32 $0x9C4, s11;
	s5 =	sadd.s32 s6, s25;
	s28 =	sshrl.u32 s11, $0x4  }
0xd: {  	s7 =	sshrl.u32 s7, $0x3;
	s29 =	sshrl.u32 s11, $0x5;
	s23 =	smin.u32 s12, $0x96C  }
0xe: {  	s13 =	sshrl.u32 s9, $0x5;
	s9 =	sshrl.u32 s26, $0x4;
	s10 =	sand.u32 $0x3FFE, s28  }
0xf: {  	s6 =	sadd.s32 s6, s7;
	s30 =	smin.u32 s29, $0x96C;
	s11 =	sshll.u32 s29, $0x8  }
0x10: {  	s7 =	smax.u32 s8, $0x1;
	s24 =	sshll.u32 s23, $0x5;
	s9 =	sand.u32 $0x7FFE, s9  }
.Ltmp0:
0x11: {  	s6 =	sadd.s32 $0x9E00, s6;
	s9 =	ssub.s32 s9, s10;
	(pc) =	sbr.rel .LBB2_1-.Ltmp0, $4  }
0x12: {  	s4 =	sadd.s32 s4, s24;
	s10 =	sshll.u32 s30, $0x8;
	p0 =	sgt.s32 s9, $0x1  }
0x13: {  	s31 =	ssub.s32 s11, s10;
	s10 =	simm.s32 $0x4F00;
	s11 =	simm.s32 $0x1  }
0x14: {  	s9 =	simm.s32 @!p0 $0x1;
	p0 =	sle.u32 s13, s12;
	s12 =	simm.s32 $0x2780  }
0x15: {  	v0 =	vimm.s32 $0x1;
	s13 =	simm.s32 $0x0;
	s8 =	ssub.s32 $0x0, s9;
	s9 =	sor.u32 $0x30, s31  }
.LBB2_3:
0x16: {  	[hbm4b:s5+s2] =	stream.linear.scatter [tilespmem:s2], [sflag:$0x1], $0x2780, $0x38;
	[tilespmem:$0xA700] =	vst v63  }
0x17: {  	s13 =	sadd.s32 $0x1, s13;
	_ =	swait.ge [sflag:s11], $0x2780  }
0x18: {  	p1 =	sne.s32 s13, s7;
	[sflag:s11] =	ssyncset.done $0x0  }
.Ltmp1:
0x19: {  	[sflag:s11] =	ssyncadd.s32 $0xFFFFD880;
	(pc) =	sbr.rel @!p1 .LBB2_4-.Ltmp1, $4  }
0x1a: {  	[hbm4b:s6+s2] =	stream.linear.scatter [tilespmem:s12], [sflag:$0x1], $0x2780, $0x38;
	[tilespmem:$0xA700] =	vst v63  }
0x1b: {  	_ =	swait.ge [sflag:s11], $0x2780  }
0x1c: {  	[sflag:s11] =	ssyncset.done $0x0  }
0x1d: {  	[sflag:s11] =	ssyncadd.s32 $0xFFFFD880  }
.LBB2_1:
0x1e: {  	[tilespmem:s10], [sflag:$0x1] =	stream.linear.gather [hbm4b:s4+s2], $0x5800, $0x38;
	[tilespmem:$0xA700] =	vst v63  }
0x1f: {  	_ =	swait.ge [sflag:s11], $0x5800  }
0x20: {  	[sflag:s11] =	ssyncset.done $0x0  }
0x21: {  	[sflag:s11] =	ssyncadd.s32 $0xFFFFA800  }
0x22: {  	[tilespmem:s2], [sflag:$0x1] =	stream.linear.gather [hbm4b:s3+s2], $0x2780, $0x38;
	[tilespmem:$0xA700] =	vst v63  }
0x23: {  	_ =	swait.ge [sflag:s11], $0x2780  }
0x24: {  	[sflag:s11] =	ssyncset.done $0x0  }
.Ltmp2:
0x25: {  	[sflag:s11] =	ssyncadd.s32 $0xFFFFD880;
	(pc) =	sbr.rel @p0 .LBB2_3-.Ltmp2, $4  }
0x26: {  	[tilespmem:s12], [sflag:$0x1] =	stream.linear.gather [hbm4b:s3+s2], $0x2780, $0x38;
	[tilespmem:$0xA700] =	vst v63  }
0x27: {  	_ =	swait.ge [sflag:s11], $0x2780  }
0x28: {  	s14 =	smov.u32 s9;
	[sflag:s11] =	ssyncset.done $0x0  }
0x29: {  	s15 =	simm.s32 $0x0;
	s16 =	smov.u32 s8;
	[sflag:s11] =	ssyncadd.s32 $0xFFFFD880  }
.LBB2_2:
0x2a: {  	s17 =	sadd.s32 $0xFFFFFFD0, s14  }
0x2b: {  	s18 =	sand.u32 $0x40, s15;
	s17 =	sand.u32 $0xFFFFFF00, s17  }
0x2c: {  	s17 =	sor.u32 s18, s17  }
0x2d: {  	v1 =	vld [tilespmem:s17+$0x4F00];
	_ =	sdelay $0x5  }
0x2e: {  	s18 =	sadd.s32 s18, s14  }
0x2f: {  	s19 =	sadd.s32 $0xFFFFFFD0, s18  }
0x30: {  	s19 =	sor.u32 $0x80, s19;
	[tilespmem:v1+s2+$0x0] =	vst.idx.add.s32.msk $0xffff, v0  }
0x31: {  	v1 =	vld [tilespmem:s19+$0x4F00];
	_ =	sdelay $0x7  }
0x32: {  	[tilespmem:v1+s12+$0x0] =	vst.idx.add.s32.msk $0xffff, v0  }
0x33: {  	v1 =	vld [tilespmem:s17+$0x4F10];
	_ =	sdelay $0x6  }
0x34: {  	s29 =	sadd.s32 $0xFFFFFFE0, s18  }
0x35: {  	s19 =	sor.u32 $0x80, s29;
	[tilespmem:v1+s2+$0x0] =	vst.idx.add.s32.msk $0xffff, v0  }
0x36: {  	v1 =	vld [tilespmem:s19+$0x4F00];
	_ =	sdelay $0x7  }
0x37: {  	[tilespmem:v1+s12+$0x0] =	vst.idx.add.s32.msk $0xffff, v0  }
0x38: {  	v1 =	vld [tilespmem:s17+$0x4F20];
	_ =	sdelay $0x6  }
0x39: {  	s30 =	sadd.s32 $0xFFFFFFF0, s18  }
0x3a: {  	s19 =	sor.u32 $0x80, s30;
	[tilespmem:v1+s2+$0x0] =	vst.idx.add.s32.msk $0xffff, v0  }
0x3b: {  	v1 =	vld [tilespmem:s19+$0x4F00];
	_ =	sdelay $0x7  }
0x3c: {  	[tilespmem:v1+s12+$0x0] =	vst.idx.add.s32.msk $0xffff, v0  }
0x3d: {  	v1 =	vld [tilespmem:s17+$0x4F30];
	_ =	sdelay $0x7  }
0x3e: {  	s31 =	sor.u32 $0x80, s18;
	[tilespmem:v1+s2+$0x0] =	vst.idx.add.s32.msk $0xffff, v0  }
0x3f: {  	v1 =	vld [tilespmem:s31+$0x4F00];
	_ =	sdelay $0x1  }
0x40: {  	s16 =	sadd.s32 $0x1, s16  }
0x41: {  	p1 =	seq.s32 s16, $0x0  }
.Ltmp3:
0x42: {  	_ = 	snop;
	(pc) =	sbr.rel @!p1 .LBB2_2-.Ltmp3, $2  }
0x43: {  	_ =	sdelay $0x2  }
0x44: {  	s15 =	sadd.s32 $0x40, s15;
	s14 =	sadd.s32 $0x80, s14;
	[tilespmem:v1+s12+$0x0] =	vst.idx.add.s32.msk $0xffff, v0  }
.Ltmp4:
0x45: {  	_ = 	snop;
	(pc) =	sbr.rel .LBB2_3-.Ltmp4, $1  }
0x46: {  	_ =	sdelay $0x3  }
.LBB2_4:
0x47: {  	_ =	sfence.sel $0x180000  }
0x48: {  	[bflag:$0x0] =	sbarrier.arrive $0xFFFF  }
0x49: {  	p0 =	sne.s32 s1, $0x0;
	_ =	strace $0x90000047  }
0x4a: {  	s0 =	sadd.s32 @!p0 $0x100000, s0;
	[bflag:$0x2] =	sbarrier.arrive $0xFFFF  }
0x4b: {  	[sflag:s0] =	ssyncadd.tile.s32 @!p0 $0x1;
	_ =	shalt  }
.Lfunc_end2:
_tile_overlayer_lowered:
.L_overlay_start_2:
0x4c: {  	(tag) =	ssettag $0x2  }
0x4d: {  	s0 =	rddreg [dreg:$0x0];
	s2 =	stileid.u32  }
0x4e: {  	s1 =	rddreg [dreg:$0x1];
	p0 =	sne.s32 s2, $0x0  }
0x4f: {  	s3 =	rddreg [dreg:$0x2];
	[bflag:$0x3] =	sbarrier.arrive $0xFFFF;
	s2 =	simm.s32 @!p0 $0x1C01  }
0x50: {  	[timem:s3], [sflag:s2] =	dma.local @!p0 [hbm:s0], s1  }
0x51: {  	s0 =	simm.s32 @!p0 $0x1  }
0x52: {  	_ =	swait.ge @!p0 [sflag:s0], s1  }
0x53: {  	s1 =	ssub.s32 @!p0 $0x0, s1;
	[sflag:s0] =	ssyncset.done @!p0 $0x0  }
0x54: {  	[sflag:s0] =	ssyncadd.s32 @!p0 s1  }
0x55: {  	[bflag:$0x3] =	sbarrier.arrive $0xFFFF  }
0x56: {  	_ =	shalt  }

// kernel: kernel.9.cloned.1.call-start
scs
__scs_entry_jumppad:
0x0: {  	(pc) =	sbr.rel $0x88, $3  }
0x1: {  	(tag) =	ssettag $0x0;
	lr =	simm.s32 $0x1  }
0x2: {  	[smem:$0x3F99] =	sst lr;
	_ =	strace $0xD0000000  }
0x3: {  	_ = 	snop  }
0x4: {  	_ = 	snop  }
0x5: {  	_ = 	snop  }
0x6: {  	_ = 	snop  }
0x7: {  	_ = 	snop  }
__scs_overlays_trampoline_lowered:
0x8: {  	[smem:$0x3FA8] =	sst s0  }
0x9: {  	[smem:$0x3FA9] =	sst s1  }
0xa: {  	[smem:$0x3FAA] =	sst s2  }
0xb: {  	[smem:$0x3FAB] =	sst s3  }
0xc: {  	[smem:$0x3FAC] =	sst s4  }
0xd: {  	[smem:$0x3FAD] =	sst s5  }
0xe: {  	[smem:$0x3FAE] =	sst s6  }
0xf: {  	[smem:$0x3FAF] =	sst s7  }
0x10: {  	[smem:$0x3FB0] =	sst s8  }
0x11: {  	[smem:$0x3FB1] =	sst s9;
	s0 =	simm.s32 @!p0 $0x0  }
0x12: {  	s1 =	sld [smem:$0x3F97];
	s0 =	simm.s32 @p0 $0x1  }
0x13: {  	[smem:$0x3FB2] =	sst s0;
	s0 =	simm.s32 @!p1 $0x0  }
0x14: {  	s2 =	sld [smem:$0x3F96];
	s0 =	simm.s32 @p1 $0x1  }
0x15: {  	[smem:$0x3FB3] =	sst s0;
	s0 =	simm.s32 @!p2 $0x0  }
0x16: {  	s3 =	sld [smem:$0x3FDB];
	s0 =	simm.s32 @p2 $0x1  }
0x17: {  	s4 =	simm.s32 $0x1BF5;
	[smem:$0x3FB5] =	sst s0  }
0x18: {  	s0 =	sld [smem:$0x3F98];
	_ =	swait.ge [sflag:s4], $0x0  }
0x19: {  	s7 =	sld [smem:$0x3F99]  }
0x1a: {  	s8 =	sadd.s32 $0xFFFFE003, lr  }
0x1b: {  	s9 =	sadd.s32 $0xFFFFFEF7, lr;
	s5 =	simm.s32 $0xFFFFFFFF;
	p2 =	slt.u32 s8, $0xFFFFF086  }
0x1c: {  	p1 =	slt.u32 s9, $0xF7A;
	s5 =	simm.s32 @!p2 $0x0  }
0x1d: {  	s5 =	simm.s32 @p1 $0x1;
	p0 =	seq.s32 s7, s2  }
0x1e: {  	s7 =	smul.u32 @!p0 $0xF7A, s2;
	p2 =	seq.s32 @!p0 s5, $0x0  }
0x1f: {  	s9 =	smul.u32 $0xF7A, s1;
	s8 =	simm.s32 @!p0 $0x1BF5;
	p2 =	por !p2, p0  }
0x20: {  	[sflag:s8] =	ssyncset.s32 @!p0 $0xFFFFF086;
	s6 =	sadd.s32 @!p0 s3, s7;
	s7 =	simm.s32 @!p0 $0x108  }
0x21: {  	s3 =	sadd.s32 s3, s9;
	s6 =	sadd.s32 @!p0 $0x88, s6;
	s7 =	simm.s32 @p2 $0x1082  }
0x22: {  	[simem:s7], [sflag:s8] =	dma.local @!p0 [hbm:s6], $0xF7A  }
0x23: {  	s9 =	sor.u32 $0xD0000000, s2;
	s6 =	simm.s32 $0x108;
	_ =	swait.ge @!p0 [sflag:s8], $0x0  }
0x24: {  	s3 =	sadd.s32 $0x88, s3;
	s6 =	simm.s32 @!p1 $0x1082;
	[sflag:s4] =	ssyncset.s32 $0xFFFFF086  }
0x25: {  	[simem:s6], [sflag:s4] =	dma.local [hbm:s3], $0xF7A  }
0x26: {  	[smem:$0x3F99] =	sst s1;
	(tag) =	ssettag s2;
	_ =	strace s9  }
0x27: {  	s1 =	sld [smem:$0x3FA9]  }
0x28: {  	s2 =	sld [smem:$0x3FAA]  }
0x29: {  	s4 =	sld [smem:$0x3FAC]  }
0x2a: {  	p0 =	seq.s32 s5, $0x0;
	s5 =	sld [smem:$0x3FAD]  }
0x2b: {  	s6 =	sld [smem:$0x3FAE]  }
0x2c: {  	s7 =	sld [smem:$0x3FAF]  }
0x2d: {  	s3 =	simm.s32 $0x108;
	s8 =	sld [smem:$0x3FB0]  }
0x2e: {  	s3 =	simm.s32 @!p0 $0x1082;
	s9 =	sld [smem:$0x3FB1]  }
0x2f: {  	lr =	sadd.s32 s0, s3;
	s0 =	sld [smem:$0x3FA8]  }
0x30: {  	s3 =	sld [smem:$0x3FAB]  }
0x31: {  	[smem:$0x3FB4] =	sst s10  }
0x32: {  	s10 =	sld [smem:$0x3FB2];
	_ =	sdelay $0x3  }
0x33: {  	p0 =	seq.s32 s10, $0x1;
	s10 =	sld [smem:$0x3FB4];
	_ =	sdelay $0x3  }
0x34: {  	[smem:$0x3FB4] =	sst s10  }
0x35: {  	s10 =	sld [smem:$0x3FB3];
	_ =	sdelay $0x3  }
0x36: {  	p1 =	seq.s32 s10, $0x1;
	s10 =	sld [smem:$0x3FB4];
	_ =	sdelay $0x3  }
0x37: {  	[smem:$0x3FB4] =	sst s10  }
0x38: {  	s10 =	sld [smem:$0x3FB5]  }
0x39: {  	_ = 	snop;
	(pc) =	sbr.ind lr, $3  }
0x3a: {  	_ = 	snop  }
0x3b: {  	_ = 	snop  }
0x3c: {  	p2 =	seq.s32 s10, $0x1;
	s10 =	sld [smem:$0x3FB4]  }
0x3d: {  	_ =	shalt  }
0x3e: {  	_ =	shalt  }
0x3f: {  	_ =	shalt  }
0x40: {  	_ =	shalt  }
0x41: {  	_ =	shalt  }
0x42: {  	_ =	shalt  }
0x43: {  	_ =	shalt  }
0x44: {  	_ =	shalt  }
0x45: {  	_ =	shalt  }
0x46: {  	_ =	shalt  }
0x47: {  	_ =	shalt  }
0x48: {  	_ =	shalt  }
0x49: {  	_ =	shalt  }
0x4a: {  	_ =	shalt  }
0x4b: {  	_ =	shalt  }
0x4c: {  	_ =	shalt  }
0x4d: {  	_ =	shalt  }
0x4e: {  	_ =	shalt  }
0x4f: {  	_ =	shalt  }
0x50: {  	_ =	shalt  }
0x51: {  	_ =	shalt  }
0x52: {  	_ =	shalt  }
0x53: {  	_ =	shalt  }
0x54: {  	_ =	shalt  }
0x55: {  	_ =	shalt  }
0x56: {  	_ =	shalt  }
0x57: {  	_ =	shalt  }
0x58: {  	_ =	shalt  }
0x59: {  	_ =	shalt  }
0x5a: {  	_ =	shalt  }
0x5b: {  	_ =	shalt  }
0x5c: {  	_ =	shalt  }
0x5d: {  	_ =	shalt  }
0x5e: {  	_ =	shalt  }
0x5f: {  	_ =	shalt  }
0x60: {  	_ =	shalt  }
0x61: {  	_ =	shalt  }
0x62: {  	_ =	shalt  }
0x63: {  	_ =	shalt  }
0x64: {  	_ =	shalt  }
0x65: {  	_ =	shalt  }
0x66: {  	_ =	shalt  }
0x67: {  	_ =	shalt  }
0x68: {  	_ =	shalt  }
0x69: {  	_ =	shalt  }
0x6a: {  	_ =	shalt  }
0x6b: {  	_ =	shalt  }
0x6c: {  	_ =	shalt  }
0x6d: {  	_ =	shalt  }
0x6e: {  	_ =	shalt  }
0x6f: {  	_ =	shalt  }
0x70: {  	_ =	shalt  }
0x71: {  	_ =	shalt  }
0x72: {  	_ =	shalt  }
0x73: {  	_ =	shalt  }
0x74: {  	_ =	shalt  }
0x75: {  	_ =	shalt  }
0x76: {  	_ =	shalt  }
0x77: {  	_ =	shalt  }
0x78: {  	_ =	shalt  }
0x79: {  	_ =	shalt  }
0x7a: {  	_ =	shalt  }
0x7b: {  	_ =	shalt  }
0x7c: {  	_ =	shalt  }
0x7d: {  	_ =	shalt  }
0x7e: {  	_ =	shalt  }
0x7f: {  	_ =	shalt  }
0x80: {  	_ =	shalt  }
0x81: {  	_ =	shalt  }
0x82: {  	_ =	shalt  }
0x83: {  	_ =	shalt  }
0x84: {  	_ =	shalt  }
0x85: {  	_ =	shalt  }
0x86: {  	_ =	shalt  }
0x87: {  	_ =	shalt  }
.Lfunc_end0:
.L_simem_size_0:
called_computation.1_lowered:
.L_overlay_start_0:
0x88: {  	s2 =	sld [smem:$0x3FD9]  }
0x89: {  	s3 =	sld [smem:$0x3FFE];
	_ =	sdelay $0x1  }
0x8a: {  	s1 =	srdreg.scid  }
0x8b: {  	s0 =	sand.u32 $0x1, s1  }
0x8c: {  	s17 =	sshll.u32 s0, $0xA;
	s2 =	sadd.s32 s3, s2  }
0x8d: {  	s2 =	sadd.s32 s2, s17  }
0x8e: {  	[smem:$0x3FC0] =	sst s2  }
0x8f: {  	_ = 	snop  }
0x90: {  	s2 =	sld [smem:$0x3FC8]  }
0x91: {  	s18 =	sld [smem:$0x3FD0];
	(tm) =	ssettm $0x1  }
0x92: {  	s4 =	sld [smem:$0x3FFB];
	_ =	sdelay $0x3  }
0x93: {  	_ =	strace s4  }
0x94: {  	s4 =	sld [smem:$0x3FFC];
	_ =	sdelay $0x3  }
0x95: {  	_ =	strace s4  }
0x96: {  	s4 =	sld [smem:$0x3FFD];
	_ =	sdelay $0x3  }
0x97: {  	_ =	strace s4  }
0x98: {  	_ =	strace $0x8FFFFFFF  }
0x99: {  	s19 =	sld [smem:$0x3FDB];
	_ =	sdelay $0x1  }
0x9a: {  	s5 =	simm.s32 $_scs_section_size  }
0x9b: {  	s6 =	simm.s32 $_size__tile_overlayer_lowered;
	s7 =	simm.s32 $_tile_overlayer_lowered  }
0x9c: {  	s22 =	simm.s32 $0x1BFF;
	s21 =	sshll.u32 s7, $0x1;
	s4 =	sadd.s32 s5, s19  }
0x9d: {  	s8 =	simm.s32 $0x0;
	s20 =	sshll.u32 s6, $0x1;
	s6 =	sadd.s32 s21, s4  }
0x9e: {  	[timem:s8], [sflag:s22] =	dma.local [hbm:s6], s20  }
0x9f: {  	_ =	swait.ge [sflag:s22], s20  }
0xa0: {  	s5 =	ssub.s32 $0x0, s20;
	[sflag:s22] =	ssyncset.done $0x0  }
0xa1: {  	[sflag:s22] =	ssyncadd.s32 s5;
	_ =	sdelay $0x1  }
0xa2: {  	s23 =	simm.s32 $0x1B8B  }
0xa3: {  	_ =	swait.ge [sflag:s23], $0x1  }
0xa4: {  	[sflag:s23] =	ssyncset.done $0x0  }
0xa5: {  	s25 =	simm.s32 $0x1B8E;
	s24 =	sld [smem:$0x3FFE];
	[sflag:s23] =	ssyncadd.s32 $0xFFFFFFFF  }
0xa6: {  	s26 =	simm.s32 $execute0_lowered;
	[smem:$0x3FD2] =	sst s25  }
0xa7: {  	s6 =	sshll.u32 s26, $0x1;
	_ =	strace $0x80000049;
	[dreg:$0x1] =	wrdreg $0xFFFFFFFF  }
0xa8: {  	s28 =	simm.s32 $_size_execute0_lowered;
	s4 =	sadd.s32 s4, s6;
	[dreg:$0x0] =	wrdreg $0x0  }
0xa9: {  	s6 =	sshll.u32 s28, $0x1;
	[dreg:$0x2] =	wrdreg s4  }
0xaa: {  	[dreg:$0x3] =	wrdreg s6  }
0xab: {  	[dreg:$0x4] =	wrdreg $0xC0  }
0xac: {  	_ =	task [dreg:s8], $0x5FFFF  }
0xad: {  	[dreg:$0x1] =	wrdreg $0xFFFFFFFF  }
0xae: {  	[dreg:$0x0] =	wrdreg $0x60  }
0xaf: {  	[dreg:$0x2] =	wrdreg s18  }
0xb0: {  	[dreg:$0x3] =	wrdreg s2  }
0xb1: {  	[dreg:$0x4] =	wrdreg s24  }
0xb2: {  	[dreg:$0x5] =	wrdreg $0xC4000  }
0xb3: {  	[dreg:$0x6] =	wrdreg $0x9  }
0xb4: {  	_ =	task.clear_ibuf [dreg:s8], $0x7FFFF;
	_ =	strace $0x90000049  }
0xb5: {  	s29 =	simm.s32 $0x9;
	_ =	strace $0x8000004B  }
0xb6: {  	_ =	swait.ge [sflag:s29], $0x1  }
0xb7: {  	[sflag:s29] =	ssyncadd.s32 $0xFFFFFFFF  }
0xb8: {  	_ =	strace $0x9000004B  }
0xb9: {  	_ =	sfence  }
0xba: {  	s30 =	sld [smem:$0x0];
	_ =	sdelay $0x2  }
0xbb: {  	s31 =	sshll.u32 s1, $0xD;
	s1 =	sshrl.u32 s1, $0x2  }
0xbc: {  	s3 =	sand.u32 $0x4000, s31;
	s1 =	sadd.s32 s1, s30  }
0xbd: {  	s0 =	sor.u32 s3, s0;
	s1 =	sshll.u32 s1, $0x11  }
0xbe: {  	s0 =	sor.u32 s1, s0  }
0xbf: {  	s0 =	sadd.s32 $0x8F2B, s0  }
0xc0: {  	[sflag:s0] =	ssyncadd.remote.s32 $0x1  }
0xc1: {  	_ =	sfence.sel $0xFFFF  }
0xc2: {  	[dreg:$0x0] =	wrdreg $0xFFFFFFFF;
	(pc) =	sbr.abs _section_cstart, $3  }
0xc3: {  	[dreg:$0x1] =	wrdreg $0xFFFFFFFF  }
0xc4: {  	_ =	task.clear_ibuf [dreg:s8], $0x2FFFF;
	_ =	strace $0x9FFFFFFF  }
0xc5: {  	(tm) =	ssettm $0x7FFFFFFF  }
tec
execute0_lowered:
.L_overlay_start_1:
0x0: {  	(tag) =	ssettag $0x1  }
0x1: {  	s1 =	rddreg [dreg:$0x0]  }
0x2: {  	s0 =	rddreg [dreg:$0x1]  }
0x3: {  	s2 =	rddreg [dreg:$0x2]  }
0x4: {  	s3 =	rddreg [dreg:$0x3]  }
0x5: {  	s5 =	srdreg.scid;
	s15 =	stileid.u32  }
0x6: {  	s4 =	simm.s32 $0x0;
	s8 =	sand.u32 $0x1, s5;
	s11 =	smul.u32 $0x2780, s15  }
0x7: {  	s20 =	sshll.u32 s15, $0x1;
	[smem:$0x7FF] =	sst s4;
	s13 =	smul.u32 $0x4F000, s15  }
0x8: {  	s21 =	sadd.s32 $0x1E00, s2;
	s2 =	sadd.s32 $0x4600, s2;
	s26 =	smul.u32 $0x1388, s15  }
0x9: {  	s14 =	sadd.s32 $0x128400, s3;
	p0 =	seq.s32 s15, $0xF;
	s22 =	smul.u32 $0x27100, s8  }
0xa: {  	s5 =	sor.u32 s8, s20;
	_ =	strace $0x8000004A;
	s24 =	smul.u32 $0x138800, s8  }
0xb: {  	[dreg:$0x5] =	wrdreg s21;
	s6 =	ssub.s32 $0x2, s8;
	s8 =	smul.u32 $0x9C4, s8  }
0xc: {  	s7 =	smul.u32 $0x9C4, s5;
	s9 =	sshrl.u32 s6, $0x1;
	s23 =	sshrl.u32 s13, $0x2  }
0xd: {  	s9 =	ssub.s32 s6, s9;
	s16 =	sadd.s32 s23, s3;
	s28 =	sshrl.u32 s24, $0x3  }
0xe: {  	s8 =	sadd.s32 s8, s26;
	s10 =	sadd.s32 $0x9C4, s7;
	s12 =	sshrl.u32 s7, $0x5  }
0xf: {  	s7 =	sand.u32 $0x1FFE0, s7;
	s30 =	sand.u32 $0x3FFE0, s8;
	s31 =	smax.u32 s9, $0x1  }
0x10: {  	s8 =	sshrl.u32 @!p0 s16, $0x3;
	s10 =	sshrl.u32 s10, $0x5;
	[dreg:$0xb] =	wrdreg s31  }
0x11: {  	s25 =	sadd.s32 s0, s7;
	s0 =	sadd.s32 s30, s0;
	[dreg:$0xf] =	wrdreg s8  }
0x12: {  	s6 =	ssub.s32 s10, s12;
	s7 =	sadd.s32 $0x20, s25;
	[dreg:$0x6] =	wrdreg s25  }
0x13: {  	s5 =	sadd.s32 $0x40, s25;
	s10 =	sadd.s32 s11, s22;
	[dreg:$0x7] =	wrdreg s7  }
0x14: {  	s0 =	sadd.s32 $0x60, s0;
	[dreg:$0x8] =	wrdreg s5;
	s29 =	sadd.s32 s2, s10  }
.Ltmp0:
0x15: {  	s2 =	sadd.s32 s2, s28;
	[dreg:$0xc] =	wrdreg s0;
	(pc) =	sbr.rel .LBB2_1-.Ltmp0, $4  }
0x16: {  	s20 =	simm.s32 $0x80;
	[dreg:$0x9] =	wrdreg s29;
	s2 =	sadd.s32 $0x25080, s2  }
0x17: {  	s5 =	sshrl.u32 @p0 s14, $0x3;
	[dreg:$0xa] =	wrdreg s2;
	s2 =	sshll.u32 @!p0 s15, $0x6  }
0x18: {  	s23 =	simm.s32 $0x0;
	[dreg:$0xd] =	wrdreg s5;
	s7 =	sor.u32 @!p0 $0x1C08, s2  }
0x19: {  	s22 =	simm.s32 $0x8;
	p1 =	slt.s32 s6, $0x1;
	[dreg:$0xe] =	wrdreg s7  }
.LBB2_4:
0x1a: {  	[sflag:s9] =	ssyncset.done $0x0  }
0x1b: {  	s0 =	sadd.s32 s10, s28;
	[sflag:s9] =	ssyncadd.s32 $0xFFFFC000  }
0x1c: {  	[spmem:s3] =	stream.indirect.scatter.add.f32 [tilespmem:s0], [sflag:$0x8], $0x80, s11, s20, $0xb8;
	[tilespmem:$0x1FC80] =	vst v63  }
0x1d: {  	_ =	swait.ge [sflag:s22], $0x4000  }
0x1e: {  	s5 =	rddreg [dreg:$0xd]  }
0x1f: {  	[sflag:s22] =	ssyncset.done $0x0;
	s7 =	rddreg [dreg:$0xe]  }
0x20: {  	s10 =	simm.s32 @p0 $0x1FC8;
	s8 =	rddreg [dreg:$0xf];
	[sflag:s22] =	ssyncadd.s32 $0xFFFFC000  }
.LBB2_5:
0x21: {  	[bflag:$0x0] =	sbarrier.arrive $0xFFFF  }
0x22: {  	s0 =	rddreg [dreg:$0xa]  }
0x23: {  	[hbm:s0], [sflag:s10] =	dma.local @p0 [spmem:s5], $0x2080  }
0x24: {  	_ =	swait.ge @p0 [sflag:s25], $0x2080  }
0x25: {  	[sflag:s25] =	ssyncset.done @p0 $0x0  }
0x26: {  	s0 =	rddreg [dreg:$0x9];
	[sflag:s25] =	ssyncadd.s32 @p0 $0xFFFFDF80  }
0x27: {  	[hbm:s0], [sflag:s7] =	dma.local @!p0 [spmem:s8], $0x2780  }
0x28: {  	_ =	swait.ge @!p0 [sflag:s24], $0x2780  }
0x29: {  	s23 =	sadd.s32 $0x1, s23;
	s31 =	rddreg [dreg:$0xb]  }
0x2a: {  	p2 =	sne.s32 s23, s31  }
.Ltmp1:
0x2b: {  	_ = 	snop;
	(pc) =	sbr.rel @!p2 .LBB2_6-.Ltmp1, $3  }
0x2c: {  	_ =	sdelay $0x1  }
0x2d: {  	[sflag:s24] =	ssyncset.done @!p0 $0x0  }
0x2e: {  	[sflag:s24] =	ssyncadd.s32 @!p0 $0xFFFFD880  }
.LBB2_1:
0x2f: {  	s10 =	simm.s32 @p0 $0x1FC8;
	s0 =	rddreg [dreg:$0x5];
	s25 =	simm.s32 @p0 $0x8  }
0x30: {  	[spmem:s5], [sflag:s10] =	dma.local @p0 [hbm:s0], $0x2080  }
0x31: {  	_ =	swait.ge @p0 [sflag:s25], $0x2080  }
0x32: {  	[sflag:s25] =	ssyncset.done @p0 $0x0  }
0x33: {  	s24 =	simm.s32 @!p0 $0x8;
	[sflag:s25] =	ssyncadd.s32 @p0 $0xFFFFDF80  }
0x34: {  	[spmem:s8], [sflag:s7] =	dma.local @!p0 [hbm:s0], $0x2780  }
0x35: {  	_ =	swait.ge @!p0 [sflag:s24], $0x2780  }
0x36: {  	[sflag:s24] =	ssyncset.done @!p0 $0x0  }
0x37: {  	[sflag:s24] =	ssyncadd.s32 @!p0 $0xFFFFD880  }
0x38: {  	[bflag:$0x0] =	sbarrier.arrive $0xFFFF  }
0x39: {  	s21 =	rddreg [dreg:$0x6]  }
0x3a: {  	[tilespmem:s4], [sflag:$0x1] =	stream.linear.gather [hbm4b:s21+s4], $0x100, $0x38;
	[tilespmem:$0x1FC80] =	vst v63  }
0x3b: {  	s9 =	simm.s32 $0x100;
	s26 =	rddreg [dreg:$0x7]  }
0x3c: {  	[tilespmem:s9], [sflag:$0x2] =	stream.linear.gather [hbm4b:s26+s4], $0x100, $0x38;
	[tilespmem:$0x1FC80] =	vst v63  }
0x3d: {  	s2 =	simm.s32 $0x200;
	s30 =	simm.s32 $0x1;
	s29 =	rddreg [dreg:$0x8]  }
0x3e: {  	[tilespmem:s2], [sflag:$0x3] =	stream.linear.gather [hbm4b:s29+s4], $0x100, $0x38;
	[tilespmem:$0x1FC80] =	vst v63  }
0x3f: {  	_ =	swait.ge [sflag:s30], $0x100  }
0x40: {  	[sflag:s30] =	ssyncset.done $0x0  }
0x41: {  	s28 =	simm.s32 $0x400;
	[sflag:s30] =	ssyncadd.s32 $0xFFFFFF00  }
0x42: {  	[tilespmem:s28], [sflag:$0x5] =	stream.indirect.gather [hbm4b:s1+s20], $0x80, s4, s20, $0xb8;
	[tilespmem:$0x1FC80] =	vst v63  }
.Ltmp2:
0x43: {  	s2 =	simm.s32 $0x2;
	(pc) =	sbr.rel @p1 .LBB2_5-.Ltmp2, $4  }
0x44: {  	_ =	swait.ge [sflag:s2], $0x100  }
0x45: {  	[sflag:s2] =	ssyncset.done $0x0  }
0x46: {  	s31 =	simm.s32 $0x4400;
	[sflag:s2] =	ssyncadd.s32 $0xFFFFFF00  }
0x47: {  	[tilespmem:s31], [sflag:$0x6] =	stream.indirect.gather [hbm4b:s1+s20], $0x80, s9, s20, $0xb8;
	[tilespmem:$0x1FC80] =	vst v63  }
0x48: {  	s29 =	simm.s32 $0x7;
	s30 =	simm.s32 $0x1;
	p2 =	sgt.s32 s6, $0x1  }
0x49: {  	s31 =	simm.s32 $0x400;
	s8 =	smulhi.u32 $0xAAAAAAAB, s4;
	s9 =	simm.s32 $0x3  }
0x4a: {  	s0 =	simm.s32 $0x4400;
	s2 =	smulhi.u32 $0xAAAAAAAB, s2;
	p4 =	sle.s32 s6, $0x3  }
0x4b: {  	s10 =	simm.s32 $0x2;
	p3 =	sle.s32 s6, $0x2;
	s13 =	sand.u32 $0xC00, s4  }
0x4c: {  	s5 =	rddreg [dreg:$0xc];
	s9 =	sand.u32 @!p4 $0x3, s9;
	s11 =	simm.s32 @!p4 $0x0  }
0x4d: {  	s10 =	sand.u32 @!p3 $0x3, s10;
	s13 =	sshrl.u32 s13, $0x2;
	s2 =	sshrl.u32 s2, $0x1  }
0x4e: {  	s18 =	sshll.u32 @!p4 s9, $0x8;
	s9 =	sadd.s32 @!p4 $0x1, s9;
	s21 =	smul.u32 $0xFFFD0000, s2  }
0x4f: {  	s8 =	sshrl.u32 s8, $0x1;
	s12 =	sadd.s32 @!p3 $0x1, s10;
	s7 =	smul.u32 $0xFFFFFFF4, s2  }
0x50: {  	s10 =	sshll.u32 @!p3 s10, $0x8;
	s17 =	smul.u32 $0xFFFFFFF4, s8;
	s2 =	simm.s32 $0x6  }
0x51: {  	[tilespmem:s18], [sflag:s9] =	stream.linear.gather @!p4 [hbm4b:s5+s11], $0x100, $0x38;
	[tilespmem:$0x1FC80] =	vst v63  }
0x52: {  	s8 =	smul.u32 $0xFFFD0000, s8;
	s11 =	simm.s32 @!p3 $0x80;
	s18 =	sadd.s32 $0x20, s5  }
0x53: {  	_ =	swait.ge @!p3 [sflag:s12], $0x100;
	s21 =	sshra.s32 s21, $0x2;
	s7 =	sshra.s32 s7, $0x2  }
.Ltmp3:
0x54: {  	s26 =	sshra.s32 s17, $0x2;
	[sflag:s12] =	ssyncset.done @!p3 $0x0;
	(pc) =	sbr.rel @!p2 .LBB2_4-.Ltmp3, $4  }
0x55: {  	s7 =	sadd.s32 $0x7, s7;
	s17 =	sadd.s32 $0x8400, s21;
	[sflag:s12] =	ssyncadd.s32 @!p3 $0xFFFFFF00  }
0x56: {  	[tilespmem:s17], [sflag:s7] =	stream.indirect.gather @!p3 [hbm4b:s1+s11], $0x80, s10, s11, $0xb8;
	[tilespmem:$0x1FC80] =	vst v63  }
0x57: {  	s9 =	sadd.s32 $0x5, s26;
	s21 =	simm.s32 $0x3;
	s10 =	sshra.s32 s8, $0x2  }
0x58: {  	s11 =	sor.u32 $0x80, s13;
	s8 =	simm.s32 $0xC400;
	_ =	swait.ge [sflag:s9], $0x4000  }
.LBB2_3:
0x59: {  	[sflag:s9] =	ssyncset.done $0x0;
	s29 =	sadd.s32 $0x1, s29;
	s7 =	smov.u32 s30  }
0x5a: {  	s30 =	sadd.s32 $0x1, s30;
	s12 =	smov.u32 s31;
	s13 =	smov.u32 s2  }
0x5b: {  	s10 =	sadd.s32 s10, s28;
	p2 =	slt.s32 s30, s6;
	[sflag:s9] =	ssyncadd.s32 $0xFFFFC000  }
0x5c: {  	[spmem:s3] =	stream.indirect.scatter.add.f32 [tilespmem:s10], [sflag:$0x8], $0x80, s11, s20, $0xb8;
	[tilespmem:$0x1FC80] =	vst v63  }
0x5d: {  	s28 =	smov.u32 s0;
	_ =	swait.ge [sflag:s22], $0x4000  }
0x5e: {  	s31 =	sadd.s32 $0x400, s31;
	[sflag:s22] =	ssyncset.done $0x0  }
0x5f: {  	s0 =	sadd.s32 $0x4000, s0;
	s9 =	smulhi.u32 $0xAAAAAAAB, s7;
	[sflag:s22] =	ssyncadd.s32 $0xFFFFC000  }
0x60: {  	s10 =	sadd.s32 $0x3, s7;
	s11 =	smulhi.u32 $0xAAAAAAAB, s21;
	s7 =	sadd.s32 $0x2, s7  }
0x61: {  	p4 =	sge.s32 s10, s6;
	p3 =	sge.s32 s7, s6;
	s9 =	sshrl.u32 s9, $0x1  }
0x62: {  	s10 =	sand.u32 @!p4 $0x3, s10;
	s17 =	simm.s32 @!p4 $0x0;
	s11 =	sshrl.u32 s11, $0x1  }
0x63: {  	s14 =	smul.u32 $0xFFFFFFF4, s9;
	s19 =	sshll.u32 @!p4 s10, $0x8;
	s10 =	sadd.s32 @!p4 $0x1, s10  }
0x64: {  	s7 =	sand.u32 @!p3 $0x3, s7;
	s26 =	smul.u32 $0xFFFD0000, s11  }
0x65: {  	s11 =	smul.u32 $0xFFFFFFF4, s11;
	s5 =	sadd.s32 @!p3 $0x1, s7;
	s7 =	sshll.u32 @!p3 s7, $0x8  }
0x66: {  	s2 =	sadd.s32 $0x1, s2;
	s15 =	smul.u32 $0xFFFD0000, s9;
	s26 =	sshra.s32 s26, $0x2  }
0x67: {  	s9 =	sand.u32 $0xC00, s12;
	s12 =	sshra.s32 s14, $0x2;
	s11 =	sshra.s32 s11, $0x2  }
0x68: {  	s16 =	sshrl.u32 s9, $0x2;
	s14 =	simm.s32 @!p3 $0x80;
	s9 =	sadd.s32 s12, s13  }
0x69: {  	[tilespmem:s19], [sflag:s10] =	stream.linear.gather @!p4 [hbm4b:s18+s17], $0x100, $0x38;
	[tilespmem:$0x1FC80] =	vst v63  }
.Ltmp4:
0x6a: {  	s17 =	sadd.s32 s11, s29;
	_ =	swait.ge @!p3 [sflag:s5], $0x100;
	(pc) =	sbr.rel @p2 .LBB2_3-.Ltmp4, $4  }
0x6b: {  	s12 =	sadd.s32 s26, s8;
	s10 =	sshra.s32 s15, $0x2;
	[sflag:s5] =	ssyncset.done @!p3 $0x0  }
0x6c: {  	s11 =	sor.u32 $0x80, s16;
	s18 =	sadd.s32 $0x20, s18;
	[sflag:s5] =	ssyncadd.s32 @!p3 $0xFFFFFF00  }
0x6d: {  	[tilespmem:s12], [sflag:s17] =	stream.indirect.gather @!p3 [hbm4b:s1+s14], $0x80, s7, s14, $0xb8;
	[tilespmem:$0x1FC80] =	vst v63  }
0x6e: {  	s21 =	sadd.s32 $0x1, s21;
	s8 =	sadd.s32 $0x4000, s8;
	_ =	swait.ge [sflag:s9], $0x4000  }
.Ltmp5:
0x6f: {  	_ = 	snop;
	(pc) =	sbr.rel .LBB2_4-.Ltmp5, $1  }
0x70: {  	_ =	sdelay $0x3  }
.LBB2_6:
0x71: {  	_ =	sfence.sel $0x180000  }
0x72: {  	[bflag:$0x0] =	sbarrier.arrive $0xFFFF  }
0x73: {  	_ =	strace $0x9000004A  }
0x74: {  	s0 =	stileid.u32;
	[bflag:$0x2] =	sbarrier.arrive $0xFFFF  }
0x75: {  	p0 =	sne.s32 s0, $0x0;
	s0 =	rddreg [dreg:$0x4]  }
0x76: {  	s0 =	sadd.s32 @!p0 $0x100000, s0  }
0x77: {  	[sflag:s0] =	ssyncadd.tile.s32 @!p0 $0x1;
	_ =	shalt  }
.Lfunc_end2:
_tile_overlayer_lowered:
.L_overlay_start_2:
0x78: {  	(tag) =	ssettag $0x2  }
0x79: {  	s0 =	rddreg [dreg:$0x0];
	s2 =	stileid.u32  }
0x7a: {  	s1 =	rddreg [dreg:$0x1];
	p0 =	sne.s32 s2, $0x0  }
0x7b: {  	s3 =	rddreg [dreg:$0x2];
	[bflag:$0x3] =	sbarrier.arrive $0xFFFF;
	s2 =	simm.s32 @!p0 $0x1C08  }
0x7c: {  	[timem:s3], [sflag:s2] =	dma.local @!p0 [hbm:s0], s1  }
0x7d: {  	s0 =	simm.s32 @!p0 $0x8  }
0x7e: {  	_ =	swait.ge @!p0 [sflag:s0], s1  }
0x7f: {  	s1 =	ssub.s32 @!p0 $0x0, s1;
	[sflag:s0] =	ssyncset.done @!p0 $0x0  }
0x80: {  	[sflag:s0] =	ssyncadd.s32 @!p0 s1  }
0x81: {  	[bflag:$0x3] =	sbarrier.arrive $0xFFFF  }
0x82: {  	_ =	shalt  }

</sc_bundles>
